<compile_context>
chip_gen: v7x
topology: tpu7x:2x2x1
jax: 0.10.2.dev20260603
libtpu: 0.0.44.dev20260713+nightly
codegen_flags: <defaults>
</compile_context>

<pallas_src>
import math

import jax
import jax.numpy as jnp
import numpy as np
from jax import lax
from jax.experimental import pallas as pl
from jax.experimental.pallas import tpu as pltpu
from jax.experimental.pallas import tpu_sc as plsc

NUM_HEADS = 16
NUM_BUCKETS = 32
MAX_DISTANCE = 256
S = 2048
L = 16
WIDTH = 4352
HALF_W = WIDTH // 2
LINE_PAD = WIDTH + 16
ROWS_PER_TC_BLK = 64


def _bucket_thresholds():
    a = np.arange(S + 64, dtype=np.int64)
    x = a.astype(np.float32) / np.float32(8.0) + np.float32(1e-6)
    lp = np.log(x) / np.float32(math.log(MAX_DISTANCE / 8.0)) * np.float32(8.0)
    lpi = np.minimum((np.float32(8.0) + lp).astype(np.int32), 15)
    bab = np.where(a < 8, a, lpi).astype(np.int32)
    return [int(np.argmax(bab >= b)) for b in range(1, 16)]


_THRESHOLDS = _bucket_thresholds()


def _sc_lines_body(table_hbm, shift_hbm, table_v, line_v, shift_v, sem):
    h = lax.axis_index("s")
    half = lax.axis_index("c")
    k0 = half * HALF_W

    pltpu.sync_copy(table_hbm, table_v)

    lane = lax.iota(jnp.int32, 16)

    def line_body(c, carry):
        k = k0 + c * L + lane
        rel = k - (S - 1)
        a = jnp.abs(rel)
        bucket = jnp.where(rel > 0, NUM_BUCKETS // 2, 0) + jnp.minimum(a, 7)
        for t in _THRESHOLDS[7:]:
            bucket = bucket + jnp.where(a >= t, 1, 0)
        idx = bucket * NUM_HEADS + h
        line_v[pl.ds(k0 + c * L, L)] = plsc.load_gather(table_v, [idx])
        return carry

    lax.fori_loop(0, HALF_W // L + 1, line_body, 0)

    def shift_body(c, carry):
        base = k0 + c * L
        kidx = base + lane
        for r in range(8):
            shift_v[r, pl.ds(base - k0, L)] = plsc.load_gather(
                line_v, [kidx + 7 - r])
        return carry

    lax.fori_loop(0, HALF_W // L, shift_body, 0)

    pltpu.sync_copy(shift_v, shift_hbm.at[h, :, pl.ds(k0, HALF_W)])


def _tc_stripes_body(shift_ref, out_ref, buf, sem):
    h = pl.program_id(0)
    v = pl.program_id(1)
    p = h * 16 + v
    par = jnp.bitwise_and(p, 7)
    nlast = NUM_HEADS * 16 - 1

    def _drain(par_idx):
        pltpu.make_async_copy(
            out_ref.at[0, 1, pl.ds(0, 128), :],
            out_ref.at[0, 0, pl.ds(0, 128), :],
            sem.at[par_idx],
        ).wait()

    rolled = pltpu.roll(shift_ref[0], WIDTH - 8 * v, axis=1)

    @pl.when(p >= 8)
    def _():
        _drain(par)

    buf[par] = rolled

    for a in range(16):
        i = (S - 8) - 128 * a - 8 * v
        pltpu.make_async_copy(
            buf.at[par, :, pl.ds(128 * a, S)],
            out_ref.at[0, h, pl.ds(pl.multiple_of(i, 8), 8), :],
            sem.at[par],
        ).start()

    @pl.when(p == nlast)
    def _():
        for slot in range(8):
            _drain(slot)


def kernel(seq_len, table):
    del seq_len
    table_flat = table.reshape(NUM_BUCKETS * NUM_HEADS)

    sc_launch = pl.kernel(
        _sc_lines_body,
        mesh=plsc.VectorSubcoreMesh(core_axis_name="c", subcore_axis_name="s"),
        out_type=jax.ShapeDtypeStruct((NUM_HEADS, 8, WIDTH), jnp.float32),
        compiler_params=pltpu.CompilerParams(needs_layout_passes=False),
        scratch_types=[
            pltpu.VMEM((NUM_BUCKETS * NUM_HEADS,), jnp.float32),
            pltpu.VMEM((LINE_PAD,), jnp.float32),
            pltpu.VMEM((8, HALF_W), jnp.float32),
            pltpu.SemaphoreType.DMA,
        ],
    )
    shift = sc_launch(table_flat)

    out = pl.pallas_call(
        _tc_stripes_body,
        grid=(NUM_HEADS, 16),
        in_specs=[
            pl.BlockSpec((1, 8, WIDTH), lambda h, v: (h, 0, 0)),
        ],
        out_specs=pl.BlockSpec(memory_space=pl.ANY),
        out_shape=jax.ShapeDtypeStruct((1, NUM_HEADS, S, S), jnp.float32),
        scratch_shapes=[
            pltpu.VMEM((8, 8, WIDTH), jnp.float32),
            pltpu.SemaphoreType.DMA((8,)),
        ],
        compiler_params=pltpu.CompilerParams(
            dimension_semantics=("arbitrary", "arbitrary")),
    )(shift)
    return out

# --- scband reference (transcript-rebuilt; emitter-appended) ---
"""Pipeline reference for scband-relative-position-bias-49005576847875 (READ-ONLY COPY).

The authoritative reference and input builder live on the scoring server;
editing this copy changes nothing except your own understanding.
"""

import math
import jax, jax.numpy as jnp
import numpy as np

NUM_HEADS = 16
NUM_BUCKETS = 32
MAX_DISTANCE = 256
BIDIRECTIONAL = True
SEQ_LEN = 2048


def setup_inputs(seed: int = 0) -> dict:
    key = jax.random.key(seed)
    table = jax.random.normal(key, (NUM_BUCKETS, NUM_HEADS), dtype=jnp.float32)
    return {"seq_len": 2048, "table": table}


def _relative_position_bucket(relative_position):
    num_buckets = NUM_BUCKETS
    max_distance = MAX_DISTANCE
    ret = jnp.zeros_like(relative_position, dtype=jnp.int32)
    rel = relative_position
    if BIDIRECTIONAL:
        half_buckets = num_buckets // 2
        sign = (rel > 0).astype(jnp.int32) * half_buckets
        ret = ret + sign
        rel = jnp.abs(rel)
        num_buckets = half_buckets
    else:
        rel = jnp.clip(-rel, a_min=0)
    max_exact = max(1, num_buckets // 2)
    is_small = rel < max_exact
    large_pos = rel.astype(jnp.float32)
    large_pos = max_exact + jnp.log(large_pos / max_exact + 1e-06) / math.log(max_distance / max_exact) * (num_buckets - max_exact)
    large_pos = large_pos.astype(jnp.int32)
    large_pos = jnp.minimum(large_pos, num_buckets - 1)
    bucket = jnp.where(is_small, rel, large_pos)
    return ret + bucket


def reference(seq_len, table):
    seq_len = jnp.asarray(seq_len, dtype=jnp.int32)
    context = jnp.arange(SEQ_LEN, dtype=jnp.int32) + (seq_len - seq_len)
    relative_position = context[None, :] - context[:, None]
    bucket = _relative_position_bucket(relative_position)
    values = jnp.take(table, bucket, axis=0)  # [S, S, H] gather
    return jnp.transpose(values, (2, 0, 1))[None]  # [1, H, S, S]

if __name__ == "__main__":
    import jax
    _d = setup_inputs()
    print(jax.jit(kernel)(*tuple(_d.values())))

</pallas_src>

<mosaic_0001>
#map = affine_map<(d0, d1) -> (0)>
#map1 = affine_map<(d0, d1) -> (0, 0, 0)>
module attributes {stable_mosaic.version = 14 : i64} {
  func.func @_sc_lines_body(%arg0: i32, %arg1: i32, %arg2: memref<512xf32, #tpu.memory_space<hbm>>, %arg3: memref<16x8x4352xf32, #tpu.memory_space<hbm>>, %arg4: memref<512xf32, #tpu.memory_space<vmem>>, %arg5: memref<4368xf32, #tpu.memory_space<vmem>>, %arg6: memref<8x2176xf32, #tpu.memory_space<vmem>>, %arg7: memref<!tpu.dma_semaphore, #tpu.memory_space<semaphore_mem>>) attributes {dimension_semantics = [#tpu.dimension_semantics<core_parallel>, #tpu.dimension_semantics<subcore_parallel>], iteration_bounds = array<i64: 2, 16>, scalar_prefetch = 0 : i64, scratch_operands = 4 : i64, tpu.core_type = #tpu.core_type<sc_vector_subcore>, window_params = [{transform_indices = #map}, {transform_indices = #map1}]} {
    %mul3A = arith.constant 2176 : i32
    %mul3A_0 = arith.muli %arg0, %mul3A : i32
    "tpu.region"() ({
      %run_scoped3A = tpu.sem_alloc : memref<!tpu.dma_semaphore, #tpu.memory_space<semaphore_mem>>
      tpu.enqueue_dma source(%arg2 : memref<512xf32, #tpu.memory_space<hbm>>) target(%arg4 : memref<512xf32, #tpu.memory_space<vmem>>) target_semaphore(%run_scoped3A : memref<!tpu.dma_semaphore, #tpu.memory_space<semaphore_mem>>)
      tpu.wait_dma2 semaphore(%run_scoped3A : memref<!tpu.dma_semaphore, #tpu.memory_space<semaphore_mem>>) src(%arg2 : memref<512xf32, #tpu.memory_space<hbm>>) dst(%arg4 : memref<512xf32, #tpu.memory_space<vmem>>)
      tpu.yield
    }) : () -> ()
    %iota3A = tpu.iota {dimensions = array<i32: 0>} : vector<16xi32>
    %scan3A = arith.constant 0 : i32
    %scan3A_1 = arith.constant 0 : i32
    %scan3A_2 = arith.constant 137 : i32
    %scan3A_3 = arith.addi %scan3A_1, %scan3A_2 : i32
    %scan3A_4 = arith.constant 1 : i32
    scf.for %scan3A_12 = %scan3A_1 to %scan3A_3 step %scan3A_4  : i32 {
      %mul3A_13 = arith.constant 16 : i32
      %mul3A_14 = arith.muli %scan3A_12, %mul3A_13 : i32
      %add3A = arith.addi %mul3A_0, %mul3A_14 : i32
      %add3A_15 = vector.broadcast %add3A : i32 to vector<16xi32>
      %add3A_16 = arith.addi %add3A_15, %iota3A : vector<16xi32>
      %sub3A = arith.constant 2047 : i32
      %sub3A_17 = vector.broadcast %sub3A : i32 to vector<16xi32>
      %sub3A_18 = arith.subi %add3A_16, %sub3A_17 : vector<16xi32>
      %abs3A = math.absi %sub3A_18 : vector<16xi32>
      %gt3A = arith.constant 0 : i32
      %gt3A_19 = vector.broadcast %gt3A : i32 to vector<16xi32>
      %gt3A_20 = arith.cmpi sgt, %sub3A_18, %gt3A_19 : vector<16xi32>
      %jit3A = arith.constant 16 : i32
      %jit3A_21 = arith.constant 0 : i32
      %broadcast_in_dim3A = vector.broadcast %jit3A : i32 to vector<16xi32>
      %broadcast_in_dim3A_22 = vector.broadcast %jit3A_21 : i32 to vector<16xi32>
      %select_n3A = arith.select %gt3A_20, %broadcast_in_dim3A, %broadcast_in_dim3A_22 : vector<16xi1>, vector<16xi32>
      %min3A = arith.constant 7 : i32
      %min3A_23 = vector.broadcast %min3A : i32 to vector<16xi32>
      %min3A_24 = arith.minsi %abs3A, %min3A_23 : vector<16xi32>
      %add3A_25 = arith.addi %select_n3A, %min3A_24 : vector<16xi32>
      %ge3A = arith.constant 8 : i32
      %ge3A_26 = vector.broadcast %ge3A : i32 to vector<16xi32>
      %ge3A_27 = arith.cmpi sge, %abs3A, %ge3A_26 : vector<16xi32>
      %jit3A_28 = arith.constant 1 : i32
      %jit3A_29 = arith.constant 0 : i32
      %broadcast_in_dim3A_30 = vector.broadcast %jit3A_28 : i32 to vector<16xi32>
      %broadcast_in_dim3A_31 = vector.broadcast %jit3A_29 : i32 to vector<16xi32>
      %select_n3A_32 = arith.select %ge3A_27, %broadcast_in_dim3A_30, %broadcast_in_dim3A_31 : vector<16xi1>, vector<16xi32>
      %add3A_33 = arith.addi %add3A_25, %select_n3A_32 : vector<16xi32>
      %ge3A_34 = arith.constant 13 : i32
      %ge3A_35 = vector.broadcast %ge3A_34 : i32 to vector<16xi32>
      %ge3A_36 = arith.cmpi sge, %abs3A, %ge3A_35 : vector<16xi32>
      %jit3A_37 = arith.constant 1 : i32
      %jit3A_38 = arith.constant 0 : i32
      %broadcast_in_dim3A_39 = vector.broadcast %jit3A_37 : i32 to vector<16xi32>
      %broadcast_in_dim3A_40 = vector.broadcast %jit3A_38 : i32 to vector<16xi32>
      %select_n3A_41 = arith.select %ge3A_36, %broadcast_in_dim3A_39, %broadcast_in_dim3A_40 : vector<16xi1>, vector<16xi32>
      %add3A_42 = arith.addi %add3A_33, %select_n3A_41 : vector<16xi32>
      %ge3A_43 = arith.constant 20 : i32
      %ge3A_44 = vector.broadcast %ge3A_43 : i32 to vector<16xi32>
      %ge3A_45 = arith.cmpi sge, %abs3A, %ge3A_44 : vector<16xi32>
      %jit3A_46 = arith.constant 1 : i32
      %jit3A_47 = arith.constant 0 : i32
      %broadcast_in_dim3A_48 = vector.broadcast %jit3A_46 : i32 to vector<16xi32>
      %broadcast_in_dim3A_49 = vector.broadcast %jit3A_47 : i32 to vector<16xi32>
      %select_n3A_50 = arith.select %ge3A_45, %broadcast_in_dim3A_48, %broadcast_in_dim3A_49 : vector<16xi1>, vector<16xi32>
      %add3A_51 = arith.addi %add3A_42, %select_n3A_50 : vector<16xi32>
      %ge3A_52 = arith.constant 30 : i32
      %ge3A_53 = vector.broadcast %ge3A_52 : i32 to vector<16xi32>
      %ge3A_54 = arith.cmpi sge, %abs3A, %ge3A_53 : vector<16xi32>
      %jit3A_55 = arith.constant 1 : i32
      %jit3A_56 = arith.constant 0 : i32
      %broadcast_in_dim3A_57 = vector.broadcast %jit3A_55 : i32 to vector<16xi32>
      %broadcast_in_dim3A_58 = vector.broadcast %jit3A_56 : i32 to vector<16xi32>
      %select_n3A_59 = arith.select %ge3A_54, %broadcast_in_dim3A_57, %broadcast_in_dim3A_58 : vector<16xi1>, vector<16xi32>
      %add3A_60 = arith.addi %add3A_51, %select_n3A_59 : vector<16xi32>
      %ge3A_61 = arith.constant 46 : i32
      %ge3A_62 = vector.broadcast %ge3A_61 : i32 to vector<16xi32>
      %ge3A_63 = arith.cmpi sge, %abs3A, %ge3A_62 : vector<16xi32>
      %jit3A_64 = arith.constant 1 : i32
      %jit3A_65 = arith.constant 0 : i32
      %broadcast_in_dim3A_66 = vector.broadcast %jit3A_64 : i32 to vector<16xi32>
      %broadcast_in_dim3A_67 = vector.broadcast %jit3A_65 : i32 to vector<16xi32>
      %select_n3A_68 = arith.select %ge3A_63, %broadcast_in_dim3A_66, %broadcast_in_dim3A_67 : vector<16xi1>, vector<16xi32>
      %add3A_69 = arith.addi %add3A_60, %select_n3A_68 : vector<16xi32>
      %ge3A_70 = arith.constant 70 : i32
      %ge3A_71 = vector.broadcast %ge3A_70 : i32 to vector<16xi32>
      %ge3A_72 = arith.cmpi sge, %abs3A, %ge3A_71 : vector<16xi32>
      %jit3A_73 = arith.constant 1 : i32
      %jit3A_74 = arith.constant 0 : i32
      %broadcast_in_dim3A_75 = vector.broadcast %jit3A_73 : i32 to vector<16xi32>
      %broadcast_in_dim3A_76 = vector.broadcast %jit3A_74 : i32 to vector<16xi32>
      %select_n3A_77 = arith.select %ge3A_72, %broadcast_in_dim3A_75, %broadcast_in_dim3A_76 : vector<16xi1>, vector<16xi32>
      %add3A_78 = arith.addi %add3A_69, %select_n3A_77 : vector<16xi32>
      %ge3A_79 = arith.constant 108 : i32
      %ge3A_80 = vector.broadcast %ge3A_79 : i32 to vector<16xi32>
      %ge3A_81 = arith.cmpi sge, %abs3A, %ge3A_80 : vector<16xi32>
      %jit3A_82 = arith.constant 1 : i32
      %jit3A_83 = arith.constant 0 : i32
      %broadcast_in_dim3A_84 = vector.broadcast %jit3A_82 : i32 to vector<16xi32>
      %broadcast_in_dim3A_85 = vector.broadcast %jit3A_83 : i32 to vector<16xi32>
      %select_n3A_86 = arith.select %ge3A_81, %broadcast_in_dim3A_84, %broadcast_in_dim3A_85 : vector<16xi1>, vector<16xi32>
      %add3A_87 = arith.addi %add3A_78, %select_n3A_86 : vector<16xi32>
      %ge3A_88 = arith.constant 166 : i32
      %ge3A_89 = vector.broadcast %ge3A_88 : i32 to vector<16xi32>
      %ge3A_90 = arith.cmpi sge, %abs3A, %ge3A_89 : vector<16xi32>
      %jit3A_91 = arith.constant 1 : i32
      %jit3A_92 = arith.constant 0 : i32
      %broadcast_in_dim3A_93 = vector.broadcast %jit3A_91 : i32 to vector<16xi32>
      %broadcast_in_dim3A_94 = vector.broadcast %jit3A_92 : i32 to vector<16xi32>
      %select_n3A_95 = arith.select %ge3A_90, %broadcast_in_dim3A_93, %broadcast_in_dim3A_94 : vector<16xi1>, vector<16xi32>
      %add3A_96 = arith.addi %add3A_87, %select_n3A_95 : vector<16xi32>
      %mul3A_97 = arith.constant 16 : i32
      %mul3A_98 = vector.broadcast %mul3A_97 : i32 to vector<16xi32>
      %mul3A_99 = arith.muli %add3A_96, %mul3A_98 : vector<16xi32>
      %add3A_100 = vector.broadcast %arg1 : i32 to vector<16xi32>
      %add3A_101 = arith.addi %mul3A_99, %add3A_100 : vector<16xi32>
      %gather3A = tpu.vector_load_idx %arg4[%add3A_101] : memref<512xf32, #tpu.memory_space<vmem>>[vector<16xi32>], vector<16xf32>,
      %mul3A_102 = arith.constant 16 : i32
      %mul3A_103 = arith.muli %scan3A_12, %mul3A_102 : i32
      %add3A_104 = arith.addi %mul3A_0, %mul3A_103 : i32
      %swap3A = arith.index_cast %add3A_104 : i32 to index
      %swap3A_105 = tpu.vector_load %arg5[%swap3A] {strides = array<i32>} : memref<4368xf32, #tpu.memory_space<vmem>>, vector<16xf32>,
      tpu.vector_store %arg5[%swap3A], %gather3A {strides = array<i32>} : memref<4368xf32, #tpu.memory_space<vmem>>, vector<16xf32>,
    }
    %scan3A_5 = arith.constant 137 : i32
    %scan3A_6 = arith.constant 0 : i32
    %scan3A_7 = arith.constant 0 : i32
    %scan3A_8 = arith.constant 136 : i32
    %scan3A_9 = arith.addi %scan3A_7, %scan3A_8 : i32
    %scan3A_10 = arith.constant 1 : i32
    scf.for %scan3A_12 = %scan3A_7 to %scan3A_9 step %scan3A_10  : i32 {
      %mul3A_13 = arith.constant 16 : i32
      %mul3A_14 = arith.muli %scan3A_12, %mul3A_13 : i32
      %add3A = arith.addi %mul3A_0, %mul3A_14 : i32
      %add3A_15 = vector.broadcast %add3A : i32 to vector<16xi32>
      %add3A_16 = arith.addi %add3A_15, %iota3A : vector<16xi32>
      %add3A_17 = arith.constant 7 : i32
      %add3A_18 = vector.broadcast %add3A_17 : i32 to vector<16xi32>
      %add3A_19 = arith.addi %add3A_16, %add3A_18 : vector<16xi32>
      %sub3A = arith.constant 0 : i32
      %sub3A_20 = vector.broadcast %sub3A : i32 to vector<16xi32>
      %sub3A_21 = arith.subi %add3A_19, %sub3A_20 : vector<16xi32>
      %gather3A = tpu.vector_load_idx %arg5[%sub3A_21] : memref<4368xf32, #tpu.memory_space<vmem>>[vector<16xi32>], vector<16xf32>,
      %sub3A_22 = arith.subi %add3A, %mul3A_0 : i32
      %swap3A = arith.constant 0 : i32
      %swap3A_23 = arith.index_cast %swap3A : i32 to index
      %swap3A_24 = arith.index_cast %sub3A_22 : i32 to index
      %swap3A_25 = tpu.vector_load %arg6[%swap3A_23, %swap3A_24] {strides = array<i32>} : memref<8x2176xf32, #tpu.memory_space<vmem>>, vector<16xf32>,
      tpu.vector_store %arg6[%swap3A_23, %swap3A_24], %gather3A {strides = array<i32>} : memref<8x2176xf32, #tpu.memory_space<vmem>>, vector<16xf32>,
      %add3A_26 = arith.constant 7 : i32
      %add3A_27 = vector.broadcast %add3A_26 : i32 to vector<16xi32>
      %add3A_28 = arith.addi %add3A_16, %add3A_27 : vector<16xi32>
      %sub3A_29 = arith.constant 1 : i32
      %sub3A_30 = vector.broadcast %sub3A_29 : i32 to vector<16xi32>
      %sub3A_31 = arith.subi %add3A_28, %sub3A_30 : vector<16xi32>
      %gather3A_32 = tpu.vector_load_idx %arg5[%sub3A_31] : memref<4368xf32, #tpu.memory_space<vmem>>[vector<16xi32>], vector<16xf32>,
      %sub3A_33 = arith.subi %add3A, %mul3A_0 : i32
      %swap3A_34 = arith.constant 1 : i32
      %swap3A_35 = arith.index_cast %swap3A_34 : i32 to index
      %swap3A_36 = arith.index_cast %sub3A_33 : i32 to index
      %swap3A_37 = tpu.vector_load %arg6[%swap3A_35, %swap3A_36] {strides = array<i32>} : memref<8x2176xf32, #tpu.memory_space<vmem>>, vector<16xf32>,
      tpu.vector_store %arg6[%swap3A_35, %swap3A_36], %gather3A_32 {strides = array<i32>} : memref<8x2176xf32, #tpu.memory_space<vmem>>, vector<16xf32>,
      %add3A_38 = arith.constant 7 : i32
      %add3A_39 = vector.broadcast %add3A_38 : i32 to vector<16xi32>
      %add3A_40 = arith.addi %add3A_16, %add3A_39 : vector<16xi32>
      %sub3A_41 = arith.constant 2 : i32
      %sub3A_42 = vector.broadcast %sub3A_41 : i32 to vector<16xi32>
      %sub3A_43 = arith.subi %add3A_40, %sub3A_42 : vector<16xi32>
      %gather3A_44 = tpu.vector_load_idx %arg5[%sub3A_43] : memref<4368xf32, #tpu.memory_space<vmem>>[vector<16xi32>], vector<16xf32>,
      %sub3A_45 = arith.subi %add3A, %mul3A_0 : i32
      %swap3A_46 = arith.constant 2 : i32
      %swap3A_47 = arith.index_cast %swap3A_46 : i32 to index
      %swap3A_48 = arith.index_cast %sub3A_45 : i32 to index
      %swap3A_49 = tpu.vector_load %arg6[%swap3A_47, %swap3A_48] {strides = array<i32>} : memref<8x2176xf32, #tpu.memory_space<vmem>>, vector<16xf32>,
      tpu.vector_store %arg6[%swap3A_47, %swap3A_48], %gather3A_44 {strides = array<i32>} : memref<8x2176xf32, #tpu.memory_space<vmem>>, vector<16xf32>,
      %add3A_50 = arith.constant 7 : i32
      %add3A_51 = vector.broadcast %add3A_50 : i32 to vector<16xi32>
      %add3A_52 = arith.addi %add3A_16, %add3A_51 : vector<16xi32>
      %sub3A_53 = arith.constant 3 : i32
      %sub3A_54 = vector.broadcast %sub3A_53 : i32 to vector<16xi32>
      %sub3A_55 = arith.subi %add3A_52, %sub3A_54 : vector<16xi32>
      %gather3A_56 = tpu.vector_load_idx %arg5[%sub3A_55] : memref<4368xf32, #tpu.memory_space<vmem>>[vector<16xi32>], vector<16xf32>,
      %sub3A_57 = arith.subi %add3A, %mul3A_0 : i32
      %swap3A_58 = arith.constant 3 : i32
      %swap3A_59 = arith.index_cast %swap3A_58 : i32 to index
      %swap3A_60 = arith.index_cast %sub3A_57 : i32 to index
      %swap3A_61 = tpu.vector_load %arg6[%swap3A_59, %swap3A_60] {strides = array<i32>} : memref<8x2176xf32, #tpu.memory_space<vmem>>, vector<16xf32>,
      tpu.vector_store %arg6[%swap3A_59, %swap3A_60], %gather3A_56 {strides = array<i32>} : memref<8x2176xf32, #tpu.memory_space<vmem>>, vector<16xf32>,
      %add3A_62 = arith.constant 7 : i32
      %add3A_63 = vector.broadcast %add3A_62 : i32 to vector<16xi32>
      %add3A_64 = arith.addi %add3A_16, %add3A_63 : vector<16xi32>
      %sub3A_65 = arith.constant 4 : i32
      %sub3A_66 = vector.broadcast %sub3A_65 : i32 to vector<16xi32>
      %sub3A_67 = arith.subi %add3A_64, %sub3A_66 : vector<16xi32>
      %gather3A_68 = tpu.vector_load_idx %arg5[%sub3A_67] : memref<4368xf32, #tpu.memory_space<vmem>>[vector<16xi32>], vector<16xf32>,
      %sub3A_69 = arith.subi %add3A, %mul3A_0 : i32
      %swap3A_70 = arith.constant 4 : i32
      %swap3A_71 = arith.index_cast %swap3A_70 : i32 to index
      %swap3A_72 = arith.index_cast %sub3A_69 : i32 to index
      %swap3A_73 = tpu.vector_load %arg6[%swap3A_71, %swap3A_72] {strides = array<i32>} : memref<8x2176xf32, #tpu.memory_space<vmem>>, vector<16xf32>,
      tpu.vector_store %arg6[%swap3A_71, %swap3A_72], %gather3A_68 {strides = array<i32>} : memref<8x2176xf32, #tpu.memory_space<vmem>>, vector<16xf32>,
      %add3A_74 = arith.constant 7 : i32
      %add3A_75 = vector.broadcast %add3A_74 : i32 to vector<16xi32>
      %add3A_76 = arith.addi %add3A_16, %add3A_75 : vector<16xi32>
      %sub3A_77 = arith.constant 5 : i32
      %sub3A_78 = vector.broadcast %sub3A_77 : i32 to vector<16xi32>
      %sub3A_79 = arith.subi %add3A_76, %sub3A_78 : vector<16xi32>
      %gather3A_80 = tpu.vector_load_idx %arg5[%sub3A_79] : memref<4368xf32, #tpu.memory_space<vmem>>[vector<16xi32>], vector<16xf32>,
      %sub3A_81 = arith.subi %add3A, %mul3A_0 : i32
      %swap3A_82 = arith.constant 5 : i32
      %swap3A_83 = arith.index_cast %swap3A_82 : i32 to index
      %swap3A_84 = arith.index_cast %sub3A_81 : i32 to index
      %swap3A_85 = tpu.vector_load %arg6[%swap3A_83, %swap3A_84] {strides = array<i32>} : memref<8x2176xf32, #tpu.memory_space<vmem>>, vector<16xf32>,
      tpu.vector_store %arg6[%swap3A_83, %swap3A_84], %gather3A_80 {strides = array<i32>} : memref<8x2176xf32, #tpu.memory_space<vmem>>, vector<16xf32>,
      %add3A_86 = arith.constant 7 : i32
      %add3A_87 = vector.broadcast %add3A_86 : i32 to vector<16xi32>
      %add3A_88 = arith.addi %add3A_16, %add3A_87 : vector<16xi32>
      %sub3A_89 = arith.constant 6 : i32
      %sub3A_90 = vector.broadcast %sub3A_89 : i32 to vector<16xi32>
      %sub3A_91 = arith.subi %add3A_88, %sub3A_90 : vector<16xi32>
      %gather3A_92 = tpu.vector_load_idx %arg5[%sub3A_91] : memref<4368xf32, #tpu.memory_space<vmem>>[vector<16xi32>], vector<16xf32>,
      %sub3A_93 = arith.subi %add3A, %mul3A_0 : i32
      %swap3A_94 = arith.constant 6 : i32
      %swap3A_95 = arith.index_cast %swap3A_94 : i32 to index
      %swap3A_96 = arith.index_cast %sub3A_93 : i32 to index
      %swap3A_97 = tpu.vector_load %arg6[%swap3A_95, %swap3A_96] {strides = array<i32>} : memref<8x2176xf32, #tpu.memory_space<vmem>>, vector<16xf32>,
      tpu.vector_store %arg6[%swap3A_95, %swap3A_96], %gather3A_92 {strides = array<i32>} : memref<8x2176xf32, #tpu.memory_space<vmem>>, vector<16xf32>,
      %add3A_98 = arith.constant 7 : i32
      %add3A_99 = vector.broadcast %add3A_98 : i32 to vector<16xi32>
      %add3A_100 = arith.addi %add3A_16, %add3A_99 : vector<16xi32>
      %sub3A_101 = arith.constant 7 : i32
      %sub3A_102 = vector.broadcast %sub3A_101 : i32 to vector<16xi32>
      %sub3A_103 = arith.subi %add3A_100, %sub3A_102 : vector<16xi32>
      %gather3A_104 = tpu.vector_load_idx %arg5[%sub3A_103] : memref<4368xf32, #tpu.memory_space<vmem>>[vector<16xi32>], vector<16xf32>,
      %sub3A_105 = arith.subi %add3A, %mul3A_0 : i32
      %swap3A_106 = arith.constant 7 : i32
      %swap3A_107 = arith.index_cast %swap3A_106 : i32 to index
      %swap3A_108 = arith.index_cast %sub3A_105 : i32 to index
      %swap3A_109 = tpu.vector_load %arg6[%swap3A_107, %swap3A_108] {strides = array<i32>} : memref<8x2176xf32, #tpu.memory_space<vmem>>, vector<16xf32>,
      tpu.vector_store %arg6[%swap3A_107, %swap3A_108], %gather3A_104 {strides = array<i32>} : memref<8x2176xf32, #tpu.memory_space<vmem>>, vector<16xf32>,
    }
    %scan3A_11 = arith.constant 136 : i32
    "tpu.region"() ({
      %run_scoped3A = tpu.sem_alloc : memref<!tpu.dma_semaphore, #tpu.memory_space<semaphore_mem>>
      %dma_start3A = arith.constant 0 : i32
      %dma_start3A_12 = tpu.memref_slice %arg3[%arg1, %dma_start3A, %mul3A_0] : memref<16x8x4352xf32, #tpu.memory_space<hbm>> -> memref<1x8x2176xf32, #tpu.memory_space<hbm>>
      %dma_start3A_13 = tpu.memref_squeeze %dma_start3A_12 : memref<1x8x2176xf32, #tpu.memory_space<hbm>> -> memref<8x2176xf32, #tpu.memory_space<hbm>>
      %dma_start3A_14 = arith.constant 0 : i32
      %dma_start3A_15 = tpu.memref_slice %arg3[%arg1, %dma_start3A_14, %mul3A_0] : memref<16x8x4352xf32, #tpu.memory_space<hbm>> -> memref<1x8x2176xf32, #tpu.memory_space<hbm>>
      %dma_start3A_16 = tpu.memref_squeeze %dma_start3A_15 : memref<1x8x2176xf32, #tpu.memory_space<hbm>> -> memref<8x2176xf32, #tpu.memory_space<hbm>>
      tpu.enqueue_dma source(%arg6 : memref<8x2176xf32, #tpu.memory_space<vmem>>) target(%dma_start3A_16 : memref<8x2176xf32, #tpu.memory_space<hbm>>) target_semaphore(%run_scoped3A : memref<!tpu.dma_semaphore, #tpu.memory_space<semaphore_mem>>)
      %dma_wait3A = arith.constant 0 : i32
      %dma_wait3A_17 = tpu.memref_slice %arg3[%arg1, %dma_wait3A, %mul3A_0] : memref<16x8x4352xf32, #tpu.memory_space<hbm>> -> memref<1x8x2176xf32, #tpu.memory_space<hbm>>
      %dma_wait3A_18 = tpu.memref_squeeze %dma_wait3A_17 : memref<1x8x2176xf32, #tpu.memory_space<hbm>> -> memref<8x2176xf32, #tpu.memory_space<hbm>>
      %dma_wait3A_19 = arith.constant 0 : i32
      %dma_wait3A_20 = tpu.memref_slice %arg3[%arg1, %dma_wait3A_19, %mul3A_0] : memref<16x8x4352xf32, #tpu.memory_space<hbm>> -> memref<1x8x2176xf32, #tpu.memory_space<hbm>>
      %dma_wait3A_21 = tpu.memref_squeeze %dma_wait3A_20 : memref<1x8x2176xf32, #tpu.memory_space<hbm>> -> memref<8x2176xf32, #tpu.memory_space<hbm>>
      tpu.wait_dma2 semaphore(%run_scoped3A : memref<!tpu.dma_semaphore, #tpu.memory_space<semaphore_mem>>) src(%arg6 : memref<8x2176xf32, #tpu.memory_space<vmem>>) dst(%dma_wait3A_21 : memref<8x2176xf32, #tpu.memory_space<hbm>>)
      tpu.yield
    }) : () -> ()
    return
  }
}

module attributes {stable_mosaic.version = 14 : i64} {
  func.func @_tc_stripes_body(%arg0: i32, %arg1: i32, %arg2: memref<1x8x4352xf32, #tpu.memory_space<vmem>>, %arg3: memref<1x16x2048x2048xf32, #tpu.memory_space<any>>, %arg4: memref<8x8x4352xf32, #tpu.memory_space<vmem>>, %arg5: memref<8x!tpu.dma_semaphore, #tpu.memory_space<semaphore_mem>>) attributes {dimension_semantics = [#tpu.dimension_semantics<arbitrary>, #tpu.dimension_semantics<arbitrary>], iteration_bounds = array<i64: 16, 16>, scalar_prefetch = 0 : i64, scratch_operands = 2 : i64, tpu.core_type = #tpu.core_type<tc>, window_params = [{transform_indices = @transform_0, window_bounds = array<i64: 1, 8, 4352>}, {}]} {
    %mul3A = arith.constant 16 : i32
    %mul3A_0 = arith.muli %arg0, %mul3A : i32
    %add3A = arith.addi %mul3A_0, %arg1 : i32
    %and3A = arith.constant 7 : i32
    %and3A_1 = arith.andi %add3A, %and3A : i32
    %get3A = arith.constant 0 : index
    %get3A_2 = arith.constant 0 : index
    %get3A_3 = arith.constant 0 : index
    %get3A_4 = vector.load %arg2[%get3A, %get3A_2, %get3A_3] : memref<1x8x4352xf32, #tpu.memory_space<vmem>>, vector<1x8x4352xf32>
    %get3A_5 = vector.shape_cast %get3A_4 : vector<1x8x4352xf32> to vector<8x4352xf32>
    %mul3A_6 = arith.constant 8 : i32
    %mul3A_7 = arith.muli %mul3A_6, %arg1 : i32
    %sub3A = arith.constant 4352 : i32
    %sub3A_8 = arith.subi %sub3A, %mul3A_7 : i32
    %roll3A = tpu.dynamic_rotate %get3A_5 by %sub3A_8 dim 1 : vector<8x4352xf32>, i32 -> vector<8x4352xf32>
    %ge3A = arith.constant 8 : i32
    %ge3A_9 = arith.cmpi sge, %add3A, %ge3A : i32
    %convert_element_type3A = arith.extui %ge3A_9 : i1 to i32
    %cond3A = arith.constant 0 : i32
    %cond3A_10 = arith.cmpi ne, %convert_element_type3A, %cond3A : i32
    scf.if %cond3A_10 {
      %dma_wait3A = arith.constant 0 : i32
      %dma_wait3A_258 = arith.constant 1 : i32
      %dma_wait3A_259 = arith.constant 0 : i32
      %dma_wait3A_260 = arith.constant 0 : i32
      %dma_wait3A_261 = tpu.memref_slice %arg5[%and3A_1] : memref<8x!tpu.dma_semaphore, #tpu.memory_space<semaphore_mem>> -> memref<1x!tpu.dma_semaphore, #tpu.memory_space<semaphore_mem>>
      %dma_wait3A_262 = tpu.memref_squeeze %dma_wait3A_261 : memref<1x!tpu.dma_semaphore, #tpu.memory_space<semaphore_mem>> -> memref<!tpu.dma_semaphore, #tpu.memory_space<semaphore_mem>>
      %dma_wait3A_263 = arith.constant 0 : i32
      %dma_wait3A_264 = arith.constant 0 : i32
      %dma_wait3A_265 = tpu.memref_slice %arg3[%dma_wait3A_259, %dma_wait3A_260, %dma_wait3A_263, %dma_wait3A_264] : memref<1x16x2048x2048xf32, #tpu.memory_space<any>> -> memref<1x1x128x2048xf32, #tpu.memory_space<any>>
      %dma_wait3A_266 = tpu.memref_squeeze %dma_wait3A_265 : memref<1x1x128x2048xf32, #tpu.memory_space<any>> -> memref<128x2048xf32, #tpu.memory_space<any>>
      %dma_wait3A_267 = arith.constant 0 : i32
      %dma_wait3A_268 = arith.constant 0 : i32
      %dma_wait3A_269 = tpu.memref_slice %arg3[%dma_wait3A, %dma_wait3A_258, %dma_wait3A_267, %dma_wait3A_268] : memref<1x16x2048x2048xf32, #tpu.memory_space<any>> -> memref<1x1x128x2048xf32, #tpu.memory_space<any>>
      %dma_wait3A_270 = tpu.memref_squeeze %dma_wait3A_269 : memref<1x1x128x2048xf32, #tpu.memory_space<any>> -> memref<128x2048xf32, #tpu.memory_space<any>>
      tpu.wait_dma2 semaphore(%dma_wait3A_262 : memref<!tpu.dma_semaphore, #tpu.memory_space<semaphore_mem>>) src(%dma_wait3A_270 : memref<128x2048xf32, #tpu.memory_space<any>>) dst(%dma_wait3A_266 : memref<128x2048xf32, #tpu.memory_space<any>>)
    } else {
    }
    %swap3A = arith.index_cast %and3A_1 : i32 to index
    %swap3A_11 = arith.constant 0 : index
    %swap3A_12 = arith.constant 0 : index
    %swap3A_13 = vector.load %arg4[%swap3A, %swap3A_11, %swap3A_12] : memref<8x8x4352xf32, #tpu.memory_space<vmem>>, vector<1x8x4352xf32>
    %swap3A_14 = vector.shape_cast %swap3A_13 : vector<1x8x4352xf32> to vector<8x4352xf32>
    %swap3A_15 = vector.shape_cast %roll3A : vector<8x4352xf32> to vector<1x8x4352xf32>
    tpu.vector_store %arg4[%swap3A, %swap3A_11, %swap3A_12], %swap3A_15 {strides = array<i32>} : memref<8x8x4352xf32, #tpu.memory_space<vmem>>, vector<1x8x4352xf32>,
    %mul3A_16 = arith.constant 8 : i32
    %mul3A_17 = arith.muli %mul3A_16, %arg1 : i32
    %sub3A_18 = arith.constant 2040 : i32
    %sub3A_19 = arith.subi %sub3A_18, %mul3A_17 : i32
    %multiple_of3A = tpu.assume_multiple %sub3A_19, 8 : i32
    %dma_start3A = arith.constant 0 : i32
    %dma_start3A_20 = tpu.memref_slice %arg5[%and3A_1] : memref<8x!tpu.dma_semaphore, #tpu.memory_space<semaphore_mem>> -> memref<1x!tpu.dma_semaphore, #tpu.memory_space<semaphore_mem>>
    %dma_start3A_21 = tpu.memref_squeeze %dma_start3A_20 : memref<1x!tpu.dma_semaphore, #tpu.memory_space<semaphore_mem>> -> memref<!tpu.dma_semaphore, #tpu.memory_space<semaphore_mem>>
    %dma_start3A_22 = arith.constant 0 : i32
    %dma_start3A_23 = tpu.memref_slice %arg3[%dma_start3A, %arg0, %multiple_of3A, %dma_start3A_22] : memref<1x16x2048x2048xf32, #tpu.memory_space<any>> -> memref<1x1x8x2048xf32, #tpu.memory_space<any>>
    %dma_start3A_24 = tpu.memref_squeeze %dma_start3A_23 : memref<1x1x8x2048xf32, #tpu.memory_space<any>> -> memref<8x2048xf32, #tpu.memory_space<any>>
    %dma_start3A_25 = arith.constant 0 : i32
    %dma_start3A_26 = arith.constant 0 : i32
    %dma_start3A_27 = tpu.memref_slice %arg4[%and3A_1, %dma_start3A_25, %dma_start3A_26] : memref<8x8x4352xf32, #tpu.memory_space<vmem>> -> memref<1x8x2048xf32, #tpu.memory_space<vmem>>
    %dma_start3A_28 = tpu.memref_squeeze %dma_start3A_27 : memref<1x8x2048xf32, #tpu.memory_space<vmem>> -> memref<8x2048xf32, #tpu.memory_space<vmem>>
    tpu.enqueue_dma source(%dma_start3A_28 : memref<8x2048xf32, #tpu.memory_space<vmem>>) target(%dma_start3A_24 : memref<8x2048xf32, #tpu.memory_space<any>>) target_semaphore(%dma_start3A_21 : memref<!tpu.dma_semaphore, #tpu.memory_space<semaphore_mem>>)
    %mul3A_29 = arith.constant 8 : i32
    %mul3A_30 = arith.muli %mul3A_29, %arg1 : i32
    %sub3A_31 = arith.constant 1912 : i32
    %sub3A_32 = arith.subi %sub3A_31, %mul3A_30 : i32
    %multiple_of3A_33 = tpu.assume_multiple %sub3A_32, 8 : i32
    %dma_start3A_34 = arith.constant 0 : i32
    %dma_start3A_35 = tpu.memref_slice %arg5[%and3A_1] : memref<8x!tpu.dma_semaphore, #tpu.memory_space<semaphore_mem>> -> memref<1x!tpu.dma_semaphore, #tpu.memory_space<semaphore_mem>>
    %dma_start3A_36 = tpu.memref_squeeze %dma_start3A_35 : memref<1x!tpu.dma_semaphore, #tpu.memory_space<semaphore_mem>> -> memref<!tpu.dma_semaphore, #tpu.memory_space<semaphore_mem>>
    %dma_start3A_37 = arith.constant 0 : i32
    %dma_start3A_38 = tpu.memref_slice %arg3[%dma_start3A_34, %arg0, %multiple_of3A_33, %dma_start3A_37] : memref<1x16x2048x2048xf32, #tpu.memory_space<any>> -> memref<1x1x8x2048xf32, #tpu.memory_space<any>>
    %dma_start3A_39 = tpu.memref_squeeze %dma_start3A_38 : memref<1x1x8x2048xf32, #tpu.memory_space<any>> -> memref<8x2048xf32, #tpu.memory_space<any>>
    %dma_start3A_40 = arith.constant 0 : i32
    %dma_start3A_41 = arith.constant 128 : i32
    %dma_start3A_42 = tpu.memref_slice %arg4[%and3A_1, %dma_start3A_40, %dma_start3A_41] : memref<8x8x4352xf32, #tpu.memory_space<vmem>> -> memref<1x8x2048xf32, #tpu.memory_space<vmem>>
    %dma_start3A_43 = tpu.memref_squeeze %dma_start3A_42 : memref<1x8x2048xf32, #tpu.memory_space<vmem>> -> memref<8x2048xf32, #tpu.memory_space<vmem>>
    tpu.enqueue_dma source(%dma_start3A_43 : memref<8x2048xf32, #tpu.memory_space<vmem>>) target(%dma_start3A_39 : memref<8x2048xf32, #tpu.memory_space<any>>) target_semaphore(%dma_start3A_36 : memref<!tpu.dma_semaphore, #tpu.memory_space<semaphore_mem>>)
    %mul3A_44 = arith.constant 8 : i32
    %mul3A_45 = arith.muli %mul3A_44, %arg1 : i32
    %sub3A_46 = arith.constant 1784 : i32
    %sub3A_47 = arith.subi %sub3A_46, %mul3A_45 : i32
    %multiple_of3A_48 = tpu.assume_multiple %sub3A_47, 8 : i32
    %dma_start3A_49 = arith.constant 0 : i32
    %dma_start3A_50 = tpu.memref_slice %arg5[%and3A_1] : memref<8x!tpu.dma_semaphore, #tpu.memory_space<semaphore_mem>> -> memref<1x!tpu.dma_semaphore, #tpu.memory_space<semaphore_mem>>
    %dma_start3A_51 = tpu.memref_squeeze %dma_start3A_50 : memref<1x!tpu.dma_semaphore, #tpu.memory_space<semaphore_mem>> -> memref<!tpu.dma_semaphore, #tpu.memory_space<semaphore_mem>>
    %dma_start3A_52 = arith.constant 0 : i32
    %dma_start3A_53 = tpu.memref_slice %arg3[%dma_start3A_49, %arg0, %multiple_of3A_48, %dma_start3A_52] : memref<1x16x2048x2048xf32, #tpu.memory_space<any>> -> memref<1x1x8x2048xf32, #tpu.memory_space<any>>
    %dma_start3A_54 = tpu.memref_squeeze %dma_start3A_53 : memref<1x1x8x2048xf32, #tpu.memory_space<any>> -> memref<8x2048xf32, #tpu.memory_space<any>>
    %dma_start3A_55 = arith.constant 0 : i32
    %dma_start3A_56 = arith.constant 256 : i32
    %dma_start3A_57 = tpu.memref_slice %arg4[%and3A_1, %dma_start3A_55, %dma_start3A_56] : memref<8x8x4352xf32, #tpu.memory_space<vmem>> -> memref<1x8x2048xf32, #tpu.memory_space<vmem>>
    %dma_start3A_58 = tpu.memref_squeeze %dma_start3A_57 : memref<1x8x2048xf32, #tpu.memory_space<vmem>> -> memref<8x2048xf32, #tpu.memory_space<vmem>>
    tpu.enqueue_dma source(%dma_start3A_58 : memref<8x2048xf32, #tpu.memory_space<vmem>>) target(%dma_start3A_54 : memref<8x2048xf32, #tpu.memory_space<any>>) target_semaphore(%dma_start3A_51 : memref<!tpu.dma_semaphore, #tpu.memory_space<semaphore_mem>>)
    %mul3A_59 = arith.constant 8 : i32
    %mul3A_60 = arith.muli %mul3A_59, %arg1 : i32
    %sub3A_61 = arith.constant 1656 : i32
    %sub3A_62 = arith.subi %sub3A_61, %mul3A_60 : i32
    %multiple_of3A_63 = tpu.assume_multiple %sub3A_62, 8 : i32
    %dma_start3A_64 = arith.constant 0 : i32
    %dma_start3A_65 = tpu.memref_slice %arg5[%and3A_1] : memref<8x!tpu.dma_semaphore, #tpu.memory_space<semaphore_mem>> -> memref<1x!tpu.dma_semaphore, #tpu.memory_space<semaphore_mem>>
    %dma_start3A_66 = tpu.memref_squeeze %dma_start3A_65 : memref<1x!tpu.dma_semaphore, #tpu.memory_space<semaphore_mem>> -> memref<!tpu.dma_semaphore, #tpu.memory_space<semaphore_mem>>
    %dma_start3A_67 = arith.constant 0 : i32
    %dma_start3A_68 = tpu.memref_slice %arg3[%dma_start3A_64, %arg0, %multiple_of3A_63, %dma_start3A_67] : memref<1x16x2048x2048xf32, #tpu.memory_space<any>> -> memref<1x1x8x2048xf32, #tpu.memory_space<any>>
    %dma_start3A_69 = tpu.memref_squeeze %dma_start3A_68 : memref<1x1x8x2048xf32, #tpu.memory_space<any>> -> memref<8x2048xf32, #tpu.memory_space<any>>
    %dma_start3A_70 = arith.constant 0 : i32
    %dma_start3A_71 = arith.constant 384 : i32
    %dma_start3A_72 = tpu.memref_slice %arg4[%and3A_1, %dma_start3A_70, %dma_start3A_71] : memref<8x8x4352xf32, #tpu.memory_space<vmem>> -> memref<1x8x2048xf32, #tpu.memory_space<vmem>>
    %dma_start3A_73 = tpu.memref_squeeze %dma_start3A_72 : memref<1x8x2048xf32, #tpu.memory_space<vmem>> -> memref<8x2048xf32, #tpu.memory_space<vmem>>
    tpu.enqueue_dma source(%dma_start3A_73 : memref<8x2048xf32, #tpu.memory_space<vmem>>) target(%dma_start3A_69 : memref<8x2048xf32, #tpu.memory_space<any>>) target_semaphore(%dma_start3A_66 : memref<!tpu.dma_semaphore, #tpu.memory_space<semaphore_mem>>)
    %mul3A_74 = arith.constant 8 : i32
    %mul3A_75 = arith.muli %mul3A_74, %arg1 : i32
    %sub3A_76 = arith.constant 1528 : i32
    %sub3A_77 = arith.subi %sub3A_76, %mul3A_75 : i32
    %multiple_of3A_78 = tpu.assume_multiple %sub3A_77, 8 : i32
    %dma_start3A_79 = arith.constant 0 : i32
    %dma_start3A_80 = tpu.memref_slice %arg5[%and3A_1] : memref<8x!tpu.dma_semaphore, #tpu.memory_space<semaphore_mem>> -> memref<1x!tpu.dma_semaphore, #tpu.memory_space<semaphore_mem>>
    %dma_start3A_81 = tpu.memref_squeeze %dma_start3A_80 : memref<1x!tpu.dma_semaphore, #tpu.memory_space<semaphore_mem>> -> memref<!tpu.dma_semaphore, #tpu.memory_space<semaphore_mem>>
    %dma_start3A_82 = arith.constant 0 : i32
    %dma_start3A_83 = tpu.memref_slice %arg3[%dma_start3A_79, %arg0, %multiple_of3A_78, %dma_start3A_82] : memref<1x16x2048x2048xf32, #tpu.memory_space<any>> -> memref<1x1x8x2048xf32, #tpu.memory_space<any>>
    %dma_start3A_84 = tpu.memref_squeeze %dma_start3A_83 : memref<1x1x8x2048xf32, #tpu.memory_space<any>> -> memref<8x2048xf32, #tpu.memory_space<any>>
    %dma_start3A_85 = arith.constant 0 : i32
    %dma_start3A_86 = arith.constant 512 : i32
    %dma_start3A_87 = tpu.memref_slice %arg4[%and3A_1, %dma_start3A_85, %dma_start3A_86] : memref<8x8x4352xf32, #tpu.memory_space<vmem>> -> memref<1x8x2048xf32, #tpu.memory_space<vmem>>
    %dma_start3A_88 = tpu.memref_squeeze %dma_start3A_87 : memref<1x8x2048xf32, #tpu.memory_space<vmem>> -> memref<8x2048xf32, #tpu.memory_space<vmem>>
    tpu.enqueue_dma source(%dma_start3A_88 : memref<8x2048xf32, #tpu.memory_space<vmem>>) target(%dma_start3A_84 : memref<8x2048xf32, #tpu.memory_space<any>>) target_semaphore(%dma_start3A_81 : memref<!tpu.dma_semaphore, #tpu.memory_space<semaphore_mem>>)
    %mul3A_89 = arith.constant 8 : i32
    %mul3A_90 = arith.muli %mul3A_89, %arg1 : i32
    %sub3A_91 = arith.constant 1400 : i32
    %sub3A_92 = arith.subi %sub3A_91, %mul3A_90 : i32
    %multiple_of3A_93 = tpu.assume_multiple %sub3A_92, 8 : i32
    %dma_start3A_94 = arith.constant 0 : i32
    %dma_start3A_95 = tpu.memref_slice %arg5[%and3A_1] : memref<8x!tpu.dma_semaphore, #tpu.memory_space<semaphore_mem>> -> memref<1x!tpu.dma_semaphore, #tpu.memory_space<semaphore_mem>>
    %dma_start3A_96 = tpu.memref_squeeze %dma_start3A_95 : memref<1x!tpu.dma_semaphore, #tpu.memory_space<semaphore_mem>> -> memref<!tpu.dma_semaphore, #tpu.memory_space<semaphore_mem>>
    %dma_start3A_97 = arith.constant 0 : i32
    %dma_start3A_98 = tpu.memref_slice %arg3[%dma_start3A_94, %arg0, %multiple_of3A_93, %dma_start3A_97] : memref<1x16x2048x2048xf32, #tpu.memory_space<any>> -> memref<1x1x8x2048xf32, #tpu.memory_space<any>>
    %dma_start3A_99 = tpu.memref_squeeze %dma_start3A_98 : memref<1x1x8x2048xf32, #tpu.memory_space<any>> -> memref<8x2048xf32, #tpu.memory_space<any>>
    %dma_start3A_100 = arith.constant 0 : i32
    %dma_start3A_101 = arith.constant 640 : i32
    %dma_start3A_102 = tpu.memref_slice %arg4[%and3A_1, %dma_start3A_100, %dma_start3A_101] : memref<8x8x4352xf32, #tpu.memory_space<vmem>> -> memref<1x8x2048xf32, #tpu.memory_space<vmem>>
    %dma_start3A_103 = tpu.memref_squeeze %dma_start3A_102 : memref<1x8x2048xf32, #tpu.memory_space<vmem>> -> memref<8x2048xf32, #tpu.memory_space<vmem>>
    tpu.enqueue_dma source(%dma_start3A_103 : memref<8x2048xf32, #tpu.memory_space<vmem>>) target(%dma_start3A_99 : memref<8x2048xf32, #tpu.memory_space<any>>) target_semaphore(%dma_start3A_96 : memref<!tpu.dma_semaphore, #tpu.memory_space<semaphore_mem>>)
    %mul3A_104 = arith.constant 8 : i32
    %mul3A_105 = arith.muli %mul3A_104, %arg1 : i32
    %sub3A_106 = arith.constant 1272 : i32
    %sub3A_107 = arith.subi %sub3A_106, %mul3A_105 : i32
    %multiple_of3A_108 = tpu.assume_multiple %sub3A_107, 8 : i32
    %dma_start3A_109 = arith.constant 0 : i32
    %dma_start3A_110 = tpu.memref_slice %arg5[%and3A_1] : memref<8x!tpu.dma_semaphore, #tpu.memory_space<semaphore_mem>> -> memref<1x!tpu.dma_semaphore, #tpu.memory_space<semaphore_mem>>
    %dma_start3A_111 = tpu.memref_squeeze %dma_start3A_110 : memref<1x!tpu.dma_semaphore, #tpu.memory_space<semaphore_mem>> -> memref<!tpu.dma_semaphore, #tpu.memory_space<semaphore_mem>>
    %dma_start3A_112 = arith.constant 0 : i32
    %dma_start3A_113 = tpu.memref_slice %arg3[%dma_start3A_109, %arg0, %multiple_of3A_108, %dma_start3A_112] : memref<1x16x2048x2048xf32, #tpu.memory_space<any>> -> memref<1x1x8x2048xf32, #tpu.memory_space<any>>
    %dma_start3A_114 = tpu.memref_squeeze %dma_start3A_113 : memref<1x1x8x2048xf32, #tpu.memory_space<any>> -> memref<8x2048xf32, #tpu.memory_space<any>>
    %dma_start3A_115 = arith.constant 0 : i32
    %dma_start3A_116 = arith.constant 768 : i32
    %dma_start3A_117 = tpu.memref_slice %arg4[%and3A_1, %dma_start3A_115, %dma_start3A_116] : memref<8x8x4352xf32, #tpu.memory_space<vmem>> -> memref<1x8x2048xf32, #tpu.memory_space<vmem>>
    %dma_start3A_118 = tpu.memref_squeeze %dma_start3A_117 : memref<1x8x2048xf32, #tpu.memory_space<vmem>> -> memref<8x2048xf32, #tpu.memory_space<vmem>>
    tpu.enqueue_dma source(%dma_start3A_118 : memref<8x2048xf32, #tpu.memory_space<vmem>>) target(%dma_start3A_114 : memref<8x2048xf32, #tpu.memory_space<any>>) target_semaphore(%dma_start3A_111 : memref<!tpu.dma_semaphore, #tpu.memory_space<semaphore_mem>>)
    %mul3A_119 = arith.constant 8 : i32
    %mul3A_120 = arith.muli %mul3A_119, %arg1 : i32
    %sub3A_121 = arith.constant 1144 : i32
    %sub3A_122 = arith.subi %sub3A_121, %mul3A_120 : i32
    %multiple_of3A_123 = tpu.assume_multiple %sub3A_122, 8 : i32
    %dma_start3A_124 = arith.constant 0 : i32
    %dma_start3A_125 = tpu.memref_slice %arg5[%and3A_1] : memref<8x!tpu.dma_semaphore, #tpu.memory_space<semaphore_mem>> -> memref<1x!tpu.dma_semaphore, #tpu.memory_space<semaphore_mem>>
    %dma_start3A_126 = tpu.memref_squeeze %dma_start3A_125 : memref<1x!tpu.dma_semaphore, #tpu.memory_space<semaphore_mem>> -> memref<!tpu.dma_semaphore, #tpu.memory_space<semaphore_mem>>
    %dma_start3A_127 = arith.constant 0 : i32
    %dma_start3A_128 = tpu.memref_slice %arg3[%dma_start3A_124, %arg0, %multiple_of3A_123, %dma_start3A_127] : memref<1x16x2048x2048xf32, #tpu.memory_space<any>> -> memref<1x1x8x2048xf32, #tpu.memory_space<any>>
    %dma_start3A_129 = tpu.memref_squeeze %dma_start3A_128 : memref<1x1x8x2048xf32, #tpu.memory_space<any>> -> memref<8x2048xf32, #tpu.memory_space<any>>
    %dma_start3A_130 = arith.constant 0 : i32
    %dma_start3A_131 = arith.constant 896 : i32
    %dma_start3A_132 = tpu.memref_slice %arg4[%and3A_1, %dma_start3A_130, %dma_start3A_131] : memref<8x8x4352xf32, #tpu.memory_space<vmem>> -> memref<1x8x2048xf32, #tpu.memory_space<vmem>>
    %dma_start3A_133 = tpu.memref_squeeze %dma_start3A_132 : memref<1x8x2048xf32, #tpu.memory_space<vmem>> -> memref<8x2048xf32, #tpu.memory_space<vmem>>
    tpu.enqueue_dma source(%dma_start3A_133 : memref<8x2048xf32, #tpu.memory_space<vmem>>) target(%dma_start3A_129 : memref<8x2048xf32, #tpu.memory_space<any>>) target_semaphore(%dma_start3A_126 : memref<!tpu.dma_semaphore, #tpu.memory_space<semaphore_mem>>)
    %mul3A_134 = arith.constant 8 : i32
    %mul3A_135 = arith.muli %mul3A_134, %arg1 : i32
    %sub3A_136 = arith.constant 1016 : i32
    %sub3A_137 = arith.subi %sub3A_136, %mul3A_135 : i32
    %multiple_of3A_138 = tpu.assume_multiple %sub3A_137, 8 : i32
    %dma_start3A_139 = arith.constant 0 : i32
    %dma_start3A_140 = tpu.memref_slice %arg5[%and3A_1] : memref<8x!tpu.dma_semaphore, #tpu.memory_space<semaphore_mem>> -> memref<1x!tpu.dma_semaphore, #tpu.memory_space<semaphore_mem>>
    %dma_start3A_141 = tpu.memref_squeeze %dma_start3A_140 : memref<1x!tpu.dma_semaphore, #tpu.memory_space<semaphore_mem>> -> memref<!tpu.dma_semaphore, #tpu.memory_space<semaphore_mem>>
    %dma_start3A_142 = arith.constant 0 : i32
    %dma_start3A_143 = tpu.memref_slice %arg3[%dma_start3A_139, %arg0, %multiple_of3A_138, %dma_start3A_142] : memref<1x16x2048x2048xf32, #tpu.memory_space<any>> -> memref<1x1x8x2048xf32, #tpu.memory_space<any>>
    %dma_start3A_144 = tpu.memref_squeeze %dma_start3A_143 : memref<1x1x8x2048xf32, #tpu.memory_space<any>> -> memref<8x2048xf32, #tpu.memory_space<any>>
    %dma_start3A_145 = arith.constant 0 : i32
    %dma_start3A_146 = arith.constant 1024 : i32
    %dma_start3A_147 = tpu.memref_slice %arg4[%and3A_1, %dma_start3A_145, %dma_start3A_146] : memref<8x8x4352xf32, #tpu.memory_space<vmem>> -> memref<1x8x2048xf32, #tpu.memory_space<vmem>>
    %dma_start3A_148 = tpu.memref_squeeze %dma_start3A_147 : memref<1x8x2048xf32, #tpu.memory_space<vmem>> -> memref<8x2048xf32, #tpu.memory_space<vmem>>
    tpu.enqueue_dma source(%dma_start3A_148 : memref<8x2048xf32, #tpu.memory_space<vmem>>) target(%dma_start3A_144 : memref<8x2048xf32, #tpu.memory_space<any>>) target_semaphore(%dma_start3A_141 : memref<!tpu.dma_semaphore, #tpu.memory_space<semaphore_mem>>)
    %mul3A_149 = arith.constant 8 : i32
    %mul3A_150 = arith.muli %mul3A_149, %arg1 : i32
    %sub3A_151 = arith.constant 888 : i32
    %sub3A_152 = arith.subi %sub3A_151, %mul3A_150 : i32
    %multiple_of3A_153 = tpu.assume_multiple %sub3A_152, 8 : i32
    %dma_start3A_154 = arith.constant 0 : i32
    %dma_start3A_155 = tpu.memref_slice %arg5[%and3A_1] : memref<8x!tpu.dma_semaphore, #tpu.memory_space<semaphore_mem>> -> memref<1x!tpu.dma_semaphore, #tpu.memory_space<semaphore_mem>>
    %dma_start3A_156 = tpu.memref_squeeze %dma_start3A_155 : memref<1x!tpu.dma_semaphore, #tpu.memory_space<semaphore_mem>> -> memref<!tpu.dma_semaphore, #tpu.memory_space<semaphore_mem>>
    %dma_start3A_157 = arith.constant 0 : i32
    %dma_start3A_158 = tpu.memref_slice %arg3[%dma_start3A_154, %arg0, %multiple_of3A_153, %dma_start3A_157] : memref<1x16x2048x2048xf32, #tpu.memory_space<any>> -> memref<1x1x8x2048xf32, #tpu.memory_space<any>>
    %dma_start3A_159 = tpu.memref_squeeze %dma_start3A_158 : memref<1x1x8x2048xf32, #tpu.memory_space<any>> -> memref<8x2048xf32, #tpu.memory_space<any>>
    %dma_start3A_160 = arith.constant 0 : i32
    %dma_start3A_161 = arith.constant 1152 : i32
    %dma_start3A_162 = tpu.memref_slice %arg4[%and3A_1, %dma_start3A_160, %dma_start3A_161] : memref<8x8x4352xf32, #tpu.memory_space<vmem>> -> memref<1x8x2048xf32, #tpu.memory_space<vmem>>
    %dma_start3A_163 = tpu.memref_squeeze %dma_start3A_162 : memref<1x8x2048xf32, #tpu.memory_space<vmem>> -> memref<8x2048xf32, #tpu.memory_space<vmem>>
    tpu.enqueue_dma source(%dma_start3A_163 : memref<8x2048xf32, #tpu.memory_space<vmem>>) target(%dma_start3A_159 : memref<8x2048xf32, #tpu.memory_space<any>>) target_semaphore(%dma_start3A_156 : memref<!tpu.dma_semaphore, #tpu.memory_space<semaphore_mem>>)
    %mul3A_164 = arith.constant 8 : i32
    %mul3A_165 = arith.muli %mul3A_164, %arg1 : i32
    %sub3A_166 = arith.constant 760 : i32
    %sub3A_167 = arith.subi %sub3A_166, %mul3A_165 : i32
    %multiple_of3A_168 = tpu.assume_multiple %sub3A_167, 8 : i32
    %dma_start3A_169 = arith.constant 0 : i32
    %dma_start3A_170 = tpu.memref_slice %arg5[%and3A_1] : memref<8x!tpu.dma_semaphore, #tpu.memory_space<semaphore_mem>> -> memref<1x!tpu.dma_semaphore, #tpu.memory_space<semaphore_mem>>
    %dma_start3A_171 = tpu.memref_squeeze %dma_start3A_170 : memref<1x!tpu.dma_semaphore, #tpu.memory_space<semaphore_mem>> -> memref<!tpu.dma_semaphore, #tpu.memory_space<semaphore_mem>>
    %dma_start3A_172 = arith.constant 0 : i32
    %dma_start3A_173 = tpu.memref_slice %arg3[%dma_start3A_169, %arg0, %multiple_of3A_168, %dma_start3A_172] : memref<1x16x2048x2048xf32, #tpu.memory_space<any>> -> memref<1x1x8x2048xf32, #tpu.memory_space<any>>
    %dma_start3A_174 = tpu.memref_squeeze %dma_start3A_173 : memref<1x1x8x2048xf32, #tpu.memory_space<any>> -> memref<8x2048xf32, #tpu.memory_space<any>>
    %dma_start3A_175 = arith.constant 0 : i32
    %dma_start3A_176 = arith.constant 1280 : i32
    %dma_start3A_177 = tpu.memref_slice %arg4[%and3A_1, %dma_start3A_175, %dma_start3A_176] : memref<8x8x4352xf32, #tpu.memory_space<vmem>> -> memref<1x8x2048xf32, #tpu.memory_space<vmem>>
    %dma_start3A_178 = tpu.memref_squeeze %dma_start3A_177 : memref<1x8x2048xf32, #tpu.memory_space<vmem>> -> memref<8x2048xf32, #tpu.memory_space<vmem>>
    tpu.enqueue_dma source(%dma_start3A_178 : memref<8x2048xf32, #tpu.memory_space<vmem>>) target(%dma_start3A_174 : memref<8x2048xf32, #tpu.memory_space<any>>) target_semaphore(%dma_start3A_171 : memref<!tpu.dma_semaphore, #tpu.memory_space<semaphore_mem>>)
    %mul3A_179 = arith.constant 8 : i32
    %mul3A_180 = arith.muli %mul3A_179, %arg1 : i32
    %sub3A_181 = arith.constant 632 : i32
    %sub3A_182 = arith.subi %sub3A_181, %mul3A_180 : i32
    %multiple_of3A_183 = tpu.assume_multiple %sub3A_182, 8 : i32
    %dma_start3A_184 = arith.constant 0 : i32
    %dma_start3A_185 = tpu.memref_slice %arg5[%and3A_1] : memref<8x!tpu.dma_semaphore, #tpu.memory_space<semaphore_mem>> -> memref<1x!tpu.dma_semaphore, #tpu.memory_space<semaphore_mem>>
    %dma_start3A_186 = tpu.memref_squeeze %dma_start3A_185 : memref<1x!tpu.dma_semaphore, #tpu.memory_space<semaphore_mem>> -> memref<!tpu.dma_semaphore, #tpu.memory_space<semaphore_mem>>
    %dma_start3A_187 = arith.constant 0 : i32
    %dma_start3A_188 = tpu.memref_slice %arg3[%dma_start3A_184, %arg0, %multiple_of3A_183, %dma_start3A_187] : memref<1x16x2048x2048xf32, #tpu.memory_space<any>> -> memref<1x1x8x2048xf32, #tpu.memory_space<any>>
    %dma_start3A_189 = tpu.memref_squeeze %dma_start3A_188 : memref<1x1x8x2048xf32, #tpu.memory_space<any>> -> memref<8x2048xf32, #tpu.memory_space<any>>
    %dma_start3A_190 = arith.constant 0 : i32
    %dma_start3A_191 = arith.constant 1408 : i32
    %dma_start3A_192 = tpu.memref_slice %arg4[%and3A_1, %dma_start3A_190, %dma_start3A_191] : memref<8x8x4352xf32, #tpu.memory_space<vmem>> -> memref<1x8x2048xf32, #tpu.memory_space<vmem>>
    %dma_start3A_193 = tpu.memref_squeeze %dma_start3A_192 : memref<1x8x2048xf32, #tpu.memory_space<vmem>> -> memref<8x2048xf32, #tpu.memory_space<vmem>>
    tpu.enqueue_dma source(%dma_start3A_193 : memref<8x2048xf32, #tpu.memory_space<vmem>>) target(%dma_start3A_189 : memref<8x2048xf32, #tpu.memory_space<any>>) target_semaphore(%dma_start3A_186 : memref<!tpu.dma_semaphore, #tpu.memory_space<semaphore_mem>>)
    %mul3A_194 = arith.constant 8 : i32
    %mul3A_195 = arith.muli %mul3A_194, %arg1 : i32
    %sub3A_196 = arith.constant 504 : i32
    %sub3A_197 = arith.subi %sub3A_196, %mul3A_195 : i32
    %multiple_of3A_198 = tpu.assume_multiple %sub3A_197, 8 : i32
    %dma_start3A_199 = arith.constant 0 : i32
    %dma_start3A_200 = tpu.memref_slice %arg5[%and3A_1] : memref<8x!tpu.dma_semaphore, #tpu.memory_space<semaphore_mem>> -> memref<1x!tpu.dma_semaphore, #tpu.memory_space<semaphore_mem>>
    %dma_start3A_201 = tpu.memref_squeeze %dma_start3A_200 : memref<1x!tpu.dma_semaphore, #tpu.memory_space<semaphore_mem>> -> memref<!tpu.dma_semaphore, #tpu.memory_space<semaphore_mem>>
    %dma_start3A_202 = arith.constant 0 : i32
    %dma_start3A_203 = tpu.memref_slice %arg3[%dma_start3A_199, %arg0, %multiple_of3A_198, %dma_start3A_202] : memref<1x16x2048x2048xf32, #tpu.memory_space<any>> -> memref<1x1x8x2048xf32, #tpu.memory_space<any>>
    %dma_start3A_204 = tpu.memref_squeeze %dma_start3A_203 : memref<1x1x8x2048xf32, #tpu.memory_space<any>> -> memref<8x2048xf32, #tpu.memory_space<any>>
    %dma_start3A_205 = arith.constant 0 : i32
    %dma_start3A_206 = arith.constant 1536 : i32
    %dma_start3A_207 = tpu.memref_slice %arg4[%and3A_1, %dma_start3A_205, %dma_start3A_206] : memref<8x8x4352xf32, #tpu.memory_space<vmem>> -> memref<1x8x2048xf32, #tpu.memory_space<vmem>>
    %dma_start3A_208 = tpu.memref_squeeze %dma_start3A_207 : memref<1x8x2048xf32, #tpu.memory_space<vmem>> -> memref<8x2048xf32, #tpu.memory_space<vmem>>
    tpu.enqueue_dma source(%dma_start3A_208 : memref<8x2048xf32, #tpu.memory_space<vmem>>) target(%dma_start3A_204 : memref<8x2048xf32, #tpu.memory_space<any>>) target_semaphore(%dma_start3A_201 : memref<!tpu.dma_semaphore, #tpu.memory_space<semaphore_mem>>)
    %mul3A_209 = arith.constant 8 : i32
    %mul3A_210 = arith.muli %mul3A_209, %arg1 : i32
    %sub3A_211 = arith.constant 376 : i32
    %sub3A_212 = arith.subi %sub3A_211, %mul3A_210 : i32
    %multiple_of3A_213 = tpu.assume_multiple %sub3A_212, 8 : i32
    %dma_start3A_214 = arith.constant 0 : i32
    %dma_start3A_215 = tpu.memref_slice %arg5[%and3A_1] : memref<8x!tpu.dma_semaphore, #tpu.memory_space<semaphore_mem>> -> memref<1x!tpu.dma_semaphore, #tpu.memory_space<semaphore_mem>>
    %dma_start3A_216 = tpu.memref_squeeze %dma_start3A_215 : memref<1x!tpu.dma_semaphore, #tpu.memory_space<semaphore_mem>> -> memref<!tpu.dma_semaphore, #tpu.memory_space<semaphore_mem>>
    %dma_start3A_217 = arith.constant 0 : i32
    %dma_start3A_218 = tpu.memref_slice %arg3[%dma_start3A_214, %arg0, %multiple_of3A_213, %dma_start3A_217] : memref<1x16x2048x2048xf32, #tpu.memory_space<any>> -> memref<1x1x8x2048xf32, #tpu.memory_space<any>>
    %dma_start3A_219 = tpu.memref_squeeze %dma_start3A_218 : memref<1x1x8x2048xf32, #tpu.memory_space<any>> -> memref<8x2048xf32, #tpu.memory_space<any>>
    %dma_start3A_220 = arith.constant 0 : i32
    %dma_start3A_221 = arith.constant 1664 : i32
    %dma_start3A_222 = tpu.memref_slice %arg4[%and3A_1, %dma_start3A_220, %dma_start3A_221] : memref<8x8x4352xf32, #tpu.memory_space<vmem>> -> memref<1x8x2048xf32, #tpu.memory_space<vmem>>
    %dma_start3A_223 = tpu.memref_squeeze %dma_start3A_222 : memref<1x8x2048xf32, #tpu.memory_space<vmem>> -> memref<8x2048xf32, #tpu.memory_space<vmem>>
    tpu.enqueue_dma source(%dma_start3A_223 : memref<8x2048xf32, #tpu.memory_space<vmem>>) target(%dma_start3A_219 : memref<8x2048xf32, #tpu.memory_space<any>>) target_semaphore(%dma_start3A_216 : memref<!tpu.dma_semaphore, #tpu.memory_space<semaphore_mem>>)
    %mul3A_224 = arith.constant 8 : i32
    %mul3A_225 = arith.muli %mul3A_224, %arg1 : i32
    %sub3A_226 = arith.constant 248 : i32
    %sub3A_227 = arith.subi %sub3A_226, %mul3A_225 : i32
    %multiple_of3A_228 = tpu.assume_multiple %sub3A_227, 8 : i32
    %dma_start3A_229 = arith.constant 0 : i32
    %dma_start3A_230 = tpu.memref_slice %arg5[%and3A_1] : memref<8x!tpu.dma_semaphore, #tpu.memory_space<semaphore_mem>> -> memref<1x!tpu.dma_semaphore, #tpu.memory_space<semaphore_mem>>
    %dma_start3A_231 = tpu.memref_squeeze %dma_start3A_230 : memref<1x!tpu.dma_semaphore, #tpu.memory_space<semaphore_mem>> -> memref<!tpu.dma_semaphore, #tpu.memory_space<semaphore_mem>>
    %dma_start3A_232 = arith.constant 0 : i32
    %dma_start3A_233 = tpu.memref_slice %arg3[%dma_start3A_229, %arg0, %multiple_of3A_228, %dma_start3A_232] : memref<1x16x2048x2048xf32, #tpu.memory_space<any>> -> memref<1x1x8x2048xf32, #tpu.memory_space<any>>
    %dma_start3A_234 = tpu.memref_squeeze %dma_start3A_233 : memref<1x1x8x2048xf32, #tpu.memory_space<any>> -> memref<8x2048xf32, #tpu.memory_space<any>>
    %dma_start3A_235 = arith.constant 0 : i32
    %dma_start3A_236 = arith.constant 1792 : i32
    %dma_start3A_237 = tpu.memref_slice %arg4[%and3A_1, %dma_start3A_235, %dma_start3A_236] : memref<8x8x4352xf32, #tpu.memory_space<vmem>> -> memref<1x8x2048xf32, #tpu.memory_space<vmem>>
    %dma_start3A_238 = tpu.memref_squeeze %dma_start3A_237 : memref<1x8x2048xf32, #tpu.memory_space<vmem>> -> memref<8x2048xf32, #tpu.memory_space<vmem>>
    tpu.enqueue_dma source(%dma_start3A_238 : memref<8x2048xf32, #tpu.memory_space<vmem>>) target(%dma_start3A_234 : memref<8x2048xf32, #tpu.memory_space<any>>) target_semaphore(%dma_start3A_231 : memref<!tpu.dma_semaphore, #tpu.memory_space<semaphore_mem>>)
    %mul3A_239 = arith.constant 8 : i32
    %mul3A_240 = arith.muli %mul3A_239, %arg1 : i32
    %sub3A_241 = arith.constant 120 : i32
    %sub3A_242 = arith.subi %sub3A_241, %mul3A_240 : i32
    %multiple_of3A_243 = tpu.assume_multiple %sub3A_242, 8 : i32
    %dma_start3A_244 = arith.constant 0 : i32
    %dma_start3A_245 = tpu.memref_slice %arg5[%and3A_1] : memref<8x!tpu.dma_semaphore, #tpu.memory_space<semaphore_mem>> -> memref<1x!tpu.dma_semaphore, #tpu.memory_space<semaphore_mem>>
    %dma_start3A_246 = tpu.memref_squeeze %dma_start3A_245 : memref<1x!tpu.dma_semaphore, #tpu.memory_space<semaphore_mem>> -> memref<!tpu.dma_semaphore, #tpu.memory_space<semaphore_mem>>
    %dma_start3A_247 = arith.constant 0 : i32
    %dma_start3A_248 = tpu.memref_slice %arg3[%dma_start3A_244, %arg0, %multiple_of3A_243, %dma_start3A_247] : memref<1x16x2048x2048xf32, #tpu.memory_space<any>> -> memref<1x1x8x2048xf32, #tpu.memory_space<any>>
    %dma_start3A_249 = tpu.memref_squeeze %dma_start3A_248 : memref<1x1x8x2048xf32, #tpu.memory_space<any>> -> memref<8x2048xf32, #tpu.memory_space<any>>
    %dma_start3A_250 = arith.constant 0 : i32
    %dma_start3A_251 = arith.constant 1920 : i32
    %dma_start3A_252 = tpu.memref_slice %arg4[%and3A_1, %dma_start3A_250, %dma_start3A_251] : memref<8x8x4352xf32, #tpu.memory_space<vmem>> -> memref<1x8x2048xf32, #tpu.memory_space<vmem>>
    %dma_start3A_253 = tpu.memref_squeeze %dma_start3A_252 : memref<1x8x2048xf32, #tpu.memory_space<vmem>> -> memref<8x2048xf32, #tpu.memory_space<vmem>>
    tpu.enqueue_dma source(%dma_start3A_253 : memref<8x2048xf32, #tpu.memory_space<vmem>>) target(%dma_start3A_249 : memref<8x2048xf32, #tpu.memory_space<any>>) target_semaphore(%dma_start3A_246 : memref<!tpu.dma_semaphore, #tpu.memory_space<semaphore_mem>>)
    %eq3A = arith.constant 255 : i32
    %eq3A_254 = arith.cmpi eq, %add3A, %eq3A : i32
    %convert_element_type3A_255 = arith.extui %eq3A_254 : i1 to i32
    %cond3A_256 = arith.constant 0 : i32
    %cond3A_257 = arith.cmpi ne, %convert_element_type3A_255, %cond3A_256 : i32
    scf.if %cond3A_257 {
      %dma_wait3A = arith.constant 0 : i32
      %dma_wait3A_258 = arith.constant 1 : i32
      %dma_wait3A_259 = arith.constant 0 : i32
      %dma_wait3A_260 = arith.constant 0 : i32
      %dma_wait3A_261 = arith.constant 0 : i32
      %dma_wait3A_262 = tpu.memref_slice %arg5[%dma_wait3A_261] : memref<8x!tpu.dma_semaphore, #tpu.memory_space<semaphore_mem>> -> memref<1x!tpu.dma_semaphore, #tpu.memory_space<semaphore_mem>>
      %dma_wait3A_263 = tpu.memref_squeeze %dma_wait3A_262 : memref<1x!tpu.dma_semaphore, #tpu.memory_space<semaphore_mem>> -> memref<!tpu.dma_semaphore, #tpu.memory_space<semaphore_mem>>
      %dma_wait3A_264 = arith.constant 0 : i32
      %dma_wait3A_265 = arith.constant 0 : i32
      %dma_wait3A_266 = tpu.memref_slice %arg3[%dma_wait3A_259, %dma_wait3A_260, %dma_wait3A_264, %dma_wait3A_265] : memref<1x16x2048x2048xf32, #tpu.memory_space<any>> -> memref<1x1x128x2048xf32, #tpu.memory_space<any>>
      %dma_wait3A_267 = tpu.memref_squeeze %dma_wait3A_266 : memref<1x1x128x2048xf32, #tpu.memory_space<any>> -> memref<128x2048xf32, #tpu.memory_space<any>>
      %dma_wait3A_268 = arith.constant 0 : i32
      %dma_wait3A_269 = arith.constant 0 : i32
      %dma_wait3A_270 = tpu.memref_slice %arg3[%dma_wait3A, %dma_wait3A_258, %dma_wait3A_268, %dma_wait3A_269] : memref<1x16x2048x2048xf32, #tpu.memory_space<any>> -> memref<1x1x128x2048xf32, #tpu.memory_space<any>>
      %dma_wait3A_271 = tpu.memref_squeeze %dma_wait3A_270 : memref<1x1x128x2048xf32, #tpu.memory_space<any>> -> memref<128x2048xf32, #tpu.memory_space<any>>
      tpu.wait_dma2 semaphore(%dma_wait3A_263 : memref<!tpu.dma_semaphore, #tpu.memory_space<semaphore_mem>>) src(%dma_wait3A_271 : memref<128x2048xf32, #tpu.memory_space<any>>) dst(%dma_wait3A_267 : memref<128x2048xf32, #tpu.memory_space<any>>)
      %dma_wait3A_272 = arith.constant 0 : i32
      %dma_wait3A_273 = arith.constant 1 : i32
      %dma_wait3A_274 = arith.constant 0 : i32
      %dma_wait3A_275 = arith.constant 0 : i32
      %dma_wait3A_276 = arith.constant 1 : i32
      %dma_wait3A_277 = tpu.memref_slice %arg5[%dma_wait3A_276] : memref<8x!tpu.dma_semaphore, #tpu.memory_space<semaphore_mem>> -> memref<1x!tpu.dma_semaphore, #tpu.memory_space<semaphore_mem>>
      %dma_wait3A_278 = tpu.memref_squeeze %dma_wait3A_277 : memref<1x!tpu.dma_semaphore, #tpu.memory_space<semaphore_mem>> -> memref<!tpu.dma_semaphore, #tpu.memory_space<semaphore_mem>>
      %dma_wait3A_279 = arith.constant 0 : i32
      %dma_wait3A_280 = arith.constant 0 : i32
      %dma_wait3A_281 = tpu.memref_slice %arg3[%dma_wait3A_274, %dma_wait3A_275, %dma_wait3A_279, %dma_wait3A_280] : memref<1x16x2048x2048xf32, #tpu.memory_space<any>> -> memref<1x1x128x2048xf32, #tpu.memory_space<any>>
      %dma_wait3A_282 = tpu.memref_squeeze %dma_wait3A_281 : memref<1x1x128x2048xf32, #tpu.memory_space<any>> -> memref<128x2048xf32, #tpu.memory_space<any>>
      %dma_wait3A_283 = arith.constant 0 : i32
      %dma_wait3A_284 = arith.constant 0 : i32
      %dma_wait3A_285 = tpu.memref_slice %arg3[%dma_wait3A_272, %dma_wait3A_273, %dma_wait3A_283, %dma_wait3A_284] : memref<1x16x2048x2048xf32, #tpu.memory_space<any>> -> memref<1x1x128x2048xf32, #tpu.memory_space<any>>
      %dma_wait3A_286 = tpu.memref_squeeze %dma_wait3A_285 : memref<1x1x128x2048xf32, #tpu.memory_space<any>> -> memref<128x2048xf32, #tpu.memory_space<any>>
      tpu.wait_dma2 semaphore(%dma_wait3A_278 : memref<!tpu.dma_semaphore, #tpu.memory_space<semaphore_mem>>) src(%dma_wait3A_286 : memref<128x2048xf32, #tpu.memory_space<any>>) dst(%dma_wait3A_282 : memref<128x2048xf32, #tpu.memory_space<any>>)
      %dma_wait3A_287 = arith.constant 0 : i32
      %dma_wait3A_288 = arith.constant 1 : i32
      %dma_wait3A_289 = arith.constant 0 : i32
      %dma_wait3A_290 = arith.constant 0 : i32
      %dma_wait3A_291 = arith.constant 2 : i32
      %dma_wait3A_292 = tpu.memref_slice %arg5[%dma_wait3A_291] : memref<8x!tpu.dma_semaphore, #tpu.memory_space<semaphore_mem>> -> memref<1x!tpu.dma_semaphore, #tpu.memory_space<semaphore_mem>>
      %dma_wait3A_293 = tpu.memref_squeeze %dma_wait3A_292 : memref<1x!tpu.dma_semaphore, #tpu.memory_space<semaphore_mem>> -> memref<!tpu.dma_semaphore, #tpu.memory_space<semaphore_mem>>
      %dma_wait3A_294 = arith.constant 0 : i32
      %dma_wait3A_295 = arith.constant 0 : i32
      %dma_wait3A_296 = tpu.memref_slice %arg3[%dma_wait3A_289, %dma_wait3A_290, %dma_wait3A_294, %dma_wait3A_295] : memref<1x16x2048x2048xf32, #tpu.memory_space<any>> -> memref<1x1x128x2048xf32, #tpu.memory_space<any>>
      %dma_wait3A_297 = tpu.memref_squeeze %dma_wait3A_296 : memref<1x1x128x2048xf32, #tpu.memory_space<any>> -> memref<128x2048xf32, #tpu.memory_space<any>>
      %dma_wait3A_298 = arith.constant 0 : i32
      %dma_wait3A_299 = arith.constant 0 : i32
      %dma_wait3A_300 = tpu.memref_slice %arg3[%dma_wait3A_287, %dma_wait3A_288, %dma_wait3A_298, %dma_wait3A_299] : memref<1x16x2048x2048xf32, #tpu.memory_space<any>> -> memref<1x1x128x2048xf32, #tpu.memory_space<any>>
      %dma_wait3A_301 = tpu.memref_squeeze %dma_wait3A_300 : memref<1x1x128x2048xf32, #tpu.memory_space<any>> -> memref<128x2048xf32, #tpu.memory_space<any>>
      tpu.wait_dma2 semaphore(%dma_wait3A_293 : memref<!tpu.dma_semaphore, #tpu.memory_space<semaphore_mem>>) src(%dma_wait3A_301 : memref<128x2048xf32, #tpu.memory_space<any>>) dst(%dma_wait3A_297 : memref<128x2048xf32, #tpu.memory_space<any>>)
      %dma_wait3A_302 = arith.constant 0 : i32
      %dma_wait3A_303 = arith.constant 1 : i32
      %dma_wait3A_304 = arith.constant 0 : i32
      %dma_wait3A_305 = arith.constant 0 : i32
      %dma_wait3A_306 = arith.constant 3 : i32
      %dma_wait3A_307 = tpu.memref_slice %arg5[%dma_wait3A_306] : memref<8x!tpu.dma_semaphore, #tpu.memory_space<semaphore_mem>> -> memref<1x!tpu.dma_semaphore, #tpu.memory_space<semaphore_mem>>
      %dma_wait3A_308 = tpu.memref_squeeze %dma_wait3A_307 : memref<1x!tpu.dma_semaphore, #tpu.memory_space<semaphore_mem>> -> memref<!tpu.dma_semaphore, #tpu.memory_space<semaphore_mem>>
      %dma_wait3A_309 = arith.constant 0 : i32
      %dma_wait3A_310 = arith.constant 0 : i32
      %dma_wait3A_311 = tpu.memref_slice %arg3[%dma_wait3A_304, %dma_wait3A_305, %dma_wait3A_309, %dma_wait3A_310] : memref<1x16x2048x2048xf32, #tpu.memory_space<any>> -> memref<1x1x128x2048xf32, #tpu.memory_space<any>>
      %dma_wait3A_312 = tpu.memref_squeeze %dma_wait3A_311 : memref<1x1x128x2048xf32, #tpu.memory_space<any>> -> memref<128x2048xf32, #tpu.memory_space<any>>
      %dma_wait3A_313 = arith.constant 0 : i32
      %dma_wait3A_314 = arith.constant 0 : i32
      %dma_wait3A_315 = tpu.memref_slice %arg3[%dma_wait3A_302, %dma_wait3A_303, %dma_wait3A_313, %dma_wait3A_314] : memref<1x16x2048x2048xf32, #tpu.memory_space<any>> -> memref<1x1x128x2048xf32, #tpu.memory_space<any>>
      %dma_wait3A_316 = tpu.memref_squeeze %dma_wait3A_315 : memref<1x1x128x2048xf32, #tpu.memory_space<any>> -> memref<128x2048xf32, #tpu.memory_space<any>>
      tpu.wait_dma2 semaphore(%dma_wait3A_308 : memref<!tpu.dma_semaphore, #tpu.memory_space<semaphore_mem>>) src(%dma_wait3A_316 : memref<128x2048xf32, #tpu.memory_space<any>>) dst(%dma_wait3A_312 : memref<128x2048xf32, #tpu.memory_space<any>>)
      %dma_wait3A_317 = arith.constant 0 : i32
      %dma_wait3A_318 = arith.constant 1 : i32
      %dma_wait3A_319 = arith.constant 0 : i32
      %dma_wait3A_320 = arith.constant 0 : i32
      %dma_wait3A_321 = arith.constant 4 : i32
      %dma_wait3A_322 = tpu.memref_slice %arg5[%dma_wait3A_321] : memref<8x!tpu.dma_semaphore, #tpu.memory_space<semaphore_mem>> -> memref<1x!tpu.dma_semaphore, #tpu.memory_space<semaphore_mem>>
      %dma_wait3A_323 = tpu.memref_squeeze %dma_wait3A_322 : memref<1x!tpu.dma_semaphore, #tpu.memory_space<semaphore_mem>> -> memref<!tpu.dma_semaphore, #tpu.memory_space<semaphore_mem>>
      %dma_wait3A_324 = arith.constant 0 : i32
      %dma_wait3A_325 = arith.constant 0 : i32
      %dma_wait3A_326 = tpu.memref_slice %arg3[%dma_wait3A_319, %dma_wait3A_320, %dma_wait3A_324, %dma_wait3A_325] : memref<1x16x2048x2048xf32, #tpu.memory_space<any>> -> memref<1x1x128x2048xf32, #tpu.memory_space<any>>
      %dma_wait3A_327 = tpu.memref_squeeze %dma_wait3A_326 : memref<1x1x128x2048xf32, #tpu.memory_space<any>> -> memref<128x2048xf32, #tpu.memory_space<any>>
      %dma_wait3A_328 = arith.constant 0 : i32
      %dma_wait3A_329 = arith.constant 0 : i32
      %dma_wait3A_330 = tpu.memref_slice %arg3[%dma_wait3A_317, %dma_wait3A_318, %dma_wait3A_328, %dma_wait3A_329] : memref<1x16x2048x2048xf32, #tpu.memory_space<any>> -> memref<1x1x128x2048xf32, #tpu.memory_space<any>>
      %dma_wait3A_331 = tpu.memref_squeeze %dma_wait3A_330 : memref<1x1x128x2048xf32, #tpu.memory_space<any>> -> memref<128x2048xf32, #tpu.memory_space<any>>
      tpu.wait_dma2 semaphore(%dma_wait3A_323 : memref<!tpu.dma_semaphore, #tpu.memory_space<semaphore_mem>>) src(%dma_wait3A_331 : memref<128x2048xf32, #tpu.memory_space<any>>) dst(%dma_wait3A_327 : memref<128x2048xf32, #tpu.memory_space<any>>)
      %dma_wait3A_332 = arith.constant 0 : i32
      %dma_wait3A_333 = arith.constant 1 : i32
      %dma_wait3A_334 = arith.constant 0 : i32
      %dma_wait3A_335 = arith.constant 0 : i32
      %dma_wait3A_336 = arith.constant 5 : i32
      %dma_wait3A_337 = tpu.memref_slice %arg5[%dma_wait3A_336] : memref<8x!tpu.dma_semaphore, #tpu.memory_space<semaphore_mem>> -> memref<1x!tpu.dma_semaphore, #tpu.memory_space<semaphore_mem>>
      %dma_wait3A_338 = tpu.memref_squeeze %dma_wait3A_337 : memref<1x!tpu.dma_semaphore, #tpu.memory_space<semaphore_mem>> -> memref<!tpu.dma_semaphore, #tpu.memory_space<semaphore_mem>>
      %dma_wait3A_339 = arith.constant 0 : i32
      %dma_wait3A_340 = arith.constant 0 : i32
      %dma_wait3A_341 = tpu.memref_slice %arg3[%dma_wait3A_334, %dma_wait3A_335, %dma_wait3A_339, %dma_wait3A_340] : memref<1x16x2048x2048xf32, #tpu.memory_space<any>> -> memref<1x1x128x2048xf32, #tpu.memory_space<any>>
      %dma_wait3A_342 = tpu.memref_squeeze %dma_wait3A_341 : memref<1x1x128x2048xf32, #tpu.memory_space<any>> -> memref<128x2048xf32, #tpu.memory_space<any>>
      %dma_wait3A_343 = arith.constant 0 : i32
      %dma_wait3A_344 = arith.constant 0 : i32
      %dma_wait3A_345 = tpu.memref_slice %arg3[%dma_wait3A_332, %dma_wait3A_333, %dma_wait3A_343, %dma_wait3A_344] : memref<1x16x2048x2048xf32, #tpu.memory_space<any>> -> memref<1x1x128x2048xf32, #tpu.memory_space<any>>
      %dma_wait3A_346 = tpu.memref_squeeze %dma_wait3A_345 : memref<1x1x128x2048xf32, #tpu.memory_space<any>> -> memref<128x2048xf32, #tpu.memory_space<any>>
      tpu.wait_dma2 semaphore(%dma_wait3A_338 : memref<!tpu.dma_semaphore, #tpu.memory_space<semaphore_mem>>) src(%dma_wait3A_346 : memref<128x2048xf32, #tpu.memory_space<any>>) dst(%dma_wait3A_342 : memref<128x2048xf32, #tpu.memory_space<any>>)
      %dma_wait3A_347 = arith.constant 0 : i32
      %dma_wait3A_348 = arith.constant 1 : i32
      %dma_wait3A_349 = arith.constant 0 : i32
      %dma_wait3A_350 = arith.constant 0 : i32
      %dma_wait3A_351 = arith.constant 6 : i32
      %dma_wait3A_352 = tpu.memref_slice %arg5[%dma_wait3A_351] : memref<8x!tpu.dma_semaphore, #tpu.memory_space<semaphore_mem>> -> memref<1x!tpu.dma_semaphore, #tpu.memory_space<semaphore_mem>>
      %dma_wait3A_353 = tpu.memref_squeeze %dma_wait3A_352 : memref<1x!tpu.dma_semaphore, #tpu.memory_space<semaphore_mem>> -> memref<!tpu.dma_semaphore, #tpu.memory_space<semaphore_mem>>
      %dma_wait3A_354 = arith.constant 0 : i32
      %dma_wait3A_355 = arith.constant 0 : i32
      %dma_wait3A_356 = tpu.memref_slice %arg3[%dma_wait3A_349, %dma_wait3A_350, %dma_wait3A_354, %dma_wait3A_355] : memref<1x16x2048x2048xf32, #tpu.memory_space<any>> -> memref<1x1x128x2048xf32, #tpu.memory_space<any>>
      %dma_wait3A_357 = tpu.memref_squeeze %dma_wait3A_356 : memref<1x1x128x2048xf32, #tpu.memory_space<any>> -> memref<128x2048xf32, #tpu.memory_space<any>>
      %dma_wait3A_358 = arith.constant 0 : i32
      %dma_wait3A_359 = arith.constant 0 : i32
      %dma_wait3A_360 = tpu.memref_slice %arg3[%dma_wait3A_347, %dma_wait3A_348, %dma_wait3A_358, %dma_wait3A_359] : memref<1x16x2048x2048xf32, #tpu.memory_space<any>> -> memref<1x1x128x2048xf32, #tpu.memory_space<any>>
      %dma_wait3A_361 = tpu.memref_squeeze %dma_wait3A_360 : memref<1x1x128x2048xf32, #tpu.memory_space<any>> -> memref<128x2048xf32, #tpu.memory_space<any>>
      tpu.wait_dma2 semaphore(%dma_wait3A_353 : memref<!tpu.dma_semaphore, #tpu.memory_space<semaphore_mem>>) src(%dma_wait3A_361 : memref<128x2048xf32, #tpu.memory_space<any>>) dst(%dma_wait3A_357 : memref<128x2048xf32, #tpu.memory_space<any>>)
      %dma_wait3A_362 = arith.constant 0 : i32
      %dma_wait3A_363 = arith.constant 1 : i32
      %dma_wait3A_364 = arith.constant 0 : i32
      %dma_wait3A_365 = arith.constant 0 : i32
      %dma_wait3A_366 = arith.constant 7 : i32
      %dma_wait3A_367 = tpu.memref_slice %arg5[%dma_wait3A_366] : memref<8x!tpu.dma_semaphore, #tpu.memory_space<semaphore_mem>> -> memref<1x!tpu.dma_semaphore, #tpu.memory_space<semaphore_mem>>
      %dma_wait3A_368 = tpu.memref_squeeze %dma_wait3A_367 : memref<1x!tpu.dma_semaphore, #tpu.memory_space<semaphore_mem>> -> memref<!tpu.dma_semaphore, #tpu.memory_space<semaphore_mem>>
      %dma_wait3A_369 = arith.constant 0 : i32
      %dma_wait3A_370 = arith.constant 0 : i32
      %dma_wait3A_371 = tpu.memref_slice %arg3[%dma_wait3A_364, %dma_wait3A_365, %dma_wait3A_369, %dma_wait3A_370] : memref<1x16x2048x2048xf32, #tpu.memory_space<any>> -> memref<1x1x128x2048xf32, #tpu.memory_space<any>>
      %dma_wait3A_372 = tpu.memref_squeeze %dma_wait3A_371 : memref<1x1x128x2048xf32, #tpu.memory_space<any>> -> memref<128x2048xf32, #tpu.memory_space<any>>
      %dma_wait3A_373 = arith.constant 0 : i32
      %dma_wait3A_374 = arith.constant 0 : i32
      %dma_wait3A_375 = tpu.memref_slice %arg3[%dma_wait3A_362, %dma_wait3A_363, %dma_wait3A_373, %dma_wait3A_374] : memref<1x16x2048x2048xf32, #tpu.memory_space<any>> -> memref<1x1x128x2048xf32, #tpu.memory_space<any>>
      %dma_wait3A_376 = tpu.memref_squeeze %dma_wait3A_375 : memref<1x1x128x2048xf32, #tpu.memory_space<any>> -> memref<128x2048xf32, #tpu.memory_space<any>>
      tpu.wait_dma2 semaphore(%dma_wait3A_368 : memref<!tpu.dma_semaphore, #tpu.memory_space<semaphore_mem>>) src(%dma_wait3A_376 : memref<128x2048xf32, #tpu.memory_space<any>>) dst(%dma_wait3A_372 : memref<128x2048xf32, #tpu.memory_space<any>>)
    } else {
    }
    return
  }
  func.func @transform_0(%arg0: i32, %arg1: i32) -> (i32, i32, i32) {
    %c0_i32 = arith.constant 0 : i32
    %c0_i32_0 = arith.constant 0 : i32
    %c0_i32_1 = arith.constant 0 : i32
    return %arg0, %c0_i32, %c0_i32_0 : i32, i32, i32
  }
}

</mosaic_0001>

<sc_bundles>
// kernel: kernel.4.cloned.1.call-start
scs
__scs_entry_jumppad:
0x0: {  	(pc) =	sbr.rel $0x88, $3  }
0x1: {  	(tag) =	ssettag $0x0;
	lr =	simm.s32 $0x1  }
0x2: {  	[smem:$0x3FA0] =	sst lr;
	_ =	strace $0xD0000000  }
0x3: {  	_ = 	snop  }
0x4: {  	_ = 	snop  }
0x5: {  	_ = 	snop  }
0x6: {  	_ = 	snop  }
0x7: {  	_ = 	snop  }
__scs_overlays_trampoline_lowered:
0x8: {  	[smem:$0x3FAF] =	sst s0  }
0x9: {  	[smem:$0x3FB0] =	sst s1  }
0xa: {  	[smem:$0x3FB1] =	sst s2  }
0xb: {  	[smem:$0x3FB2] =	sst s3  }
0xc: {  	[smem:$0x3FB3] =	sst s4  }
0xd: {  	[smem:$0x3FB4] =	sst s5  }
0xe: {  	[smem:$0x3FB5] =	sst s6  }
0xf: {  	[smem:$0x3FB6] =	sst s7  }
0x10: {  	[smem:$0x3FB7] =	sst s8  }
0x11: {  	[smem:$0x3FB8] =	sst s9;
	s0 =	simm.s32 @!p0 $0x0  }
0x12: {  	s1 =	sld [smem:$0x3F9E];
	s0 =	simm.s32 @p0 $0x1  }
0x13: {  	[smem:$0x3FB9] =	sst s0;
	s0 =	simm.s32 @!p1 $0x0  }
0x14: {  	s2 =	sld [smem:$0x3F9D];
	s0 =	simm.s32 @p1 $0x1  }
0x15: {  	[smem:$0x3FBA] =	sst s0;
	s0 =	simm.s32 @!p2 $0x0  }
0x16: {  	s3 =	sld [smem:$0x3FDB];
	s0 =	simm.s32 @p2 $0x1  }
0x17: {  	s4 =	simm.s32 $0x1BF5;
	[smem:$0x3FBC] =	sst s0  }
0x18: {  	s0 =	sld [smem:$0x3F9F];
	_ =	swait.ge [sflag:s4], $0x0  }
0x19: {  	s7 =	sld [smem:$0x3FA0]  }
0x1a: {  	s8 =	sadd.s32 $0xFFFFE003, lr  }
0x1b: {  	s9 =	sadd.s32 $0xFFFFFEF7, lr;
	s5 =	simm.s32 $0xFFFFFFFF;
	p2 =	slt.u32 s8, $0xFFFFF086  }
0x1c: {  	p1 =	slt.u32 s9, $0xF7A;
	s5 =	simm.s32 @!p2 $0x0  }
0x1d: {  	s5 =	simm.s32 @p1 $0x1;
	p0 =	seq.s32 s7, s2  }
0x1e: {  	s7 =	smul.u32 @!p0 $0xF7A, s2;
	p2 =	seq.s32 @!p0 s5, $0x0  }
0x1f: {  	s9 =	smul.u32 $0xF7A, s1;
	s8 =	simm.s32 @!p0 $0x1BF5;
	p2 =	por !p2, p0  }
0x20: {  	[sflag:s8] =	ssyncset.s32 @!p0 $0xFFFFF086;
	s6 =	sadd.s32 @!p0 s3, s7;
	s7 =	simm.s32 @!p0 $0x108  }
0x21: {  	s3 =	sadd.s32 s3, s9;
	s6 =	sadd.s32 @!p0 $0x88, s6;
	s7 =	simm.s32 @p2 $0x1082  }
0x22: {  	[simem:s7], [sflag:s8] =	dma.local @!p0 [hbm:s6], $0xF7A  }
0x23: {  	s9 =	sor.u32 $0xD0000000, s2;
	s6 =	simm.s32 $0x108;
	_ =	swait.ge @!p0 [sflag:s8], $0x0  }
0x24: {  	s3 =	sadd.s32 $0x88, s3;
	s6 =	simm.s32 @!p1 $0x1082;
	[sflag:s4] =	ssyncset.s32 $0xFFFFF086  }
0x25: {  	[simem:s6], [sflag:s4] =	dma.local [hbm:s3], $0xF7A  }
0x26: {  	[smem:$0x3FA0] =	sst s1;
	(tag) =	ssettag s2;
	_ =	strace s9  }
0x27: {  	s1 =	sld [smem:$0x3FB0]  }
0x28: {  	s2 =	sld [smem:$0x3FB1]  }
0x29: {  	s4 =	sld [smem:$0x3FB3]  }
0x2a: {  	p0 =	seq.s32 s5, $0x0;
	s5 =	sld [smem:$0x3FB4]  }
0x2b: {  	s6 =	sld [smem:$0x3FB5]  }
0x2c: {  	s7 =	sld [smem:$0x3FB6]  }
0x2d: {  	s3 =	simm.s32 $0x108;
	s8 =	sld [smem:$0x3FB7]  }
0x2e: {  	s3 =	simm.s32 @!p0 $0x1082;
	s9 =	sld [smem:$0x3FB8]  }
0x2f: {  	lr =	sadd.s32 s0, s3;
	s0 =	sld [smem:$0x3FAF]  }
0x30: {  	s3 =	sld [smem:$0x3FB2]  }
0x31: {  	[smem:$0x3FBB] =	sst s10  }
0x32: {  	s10 =	sld [smem:$0x3FB9];
	_ =	sdelay $0x3  }
0x33: {  	p0 =	seq.s32 s10, $0x1;
	s10 =	sld [smem:$0x3FBB];
	_ =	sdelay $0x3  }
0x34: {  	[smem:$0x3FBB] =	sst s10  }
0x35: {  	s10 =	sld [smem:$0x3FBA];
	_ =	sdelay $0x3  }
0x36: {  	p1 =	seq.s32 s10, $0x1;
	s10 =	sld [smem:$0x3FBB];
	_ =	sdelay $0x3  }
0x37: {  	[smem:$0x3FBB] =	sst s10  }
0x38: {  	s10 =	sld [smem:$0x3FBC]  }
0x39: {  	_ = 	snop;
	(pc) =	sbr.ind lr, $3  }
0x3a: {  	_ = 	snop  }
0x3b: {  	_ = 	snop  }
0x3c: {  	p2 =	seq.s32 s10, $0x1;
	s10 =	sld [smem:$0x3FBB]  }
0x3d: {  	_ =	shalt  }
0x3e: {  	_ =	shalt  }
0x3f: {  	_ =	shalt  }
0x40: {  	_ =	shalt  }
0x41: {  	_ =	shalt  }
0x42: {  	_ =	shalt  }
0x43: {  	_ =	shalt  }
0x44: {  	_ =	shalt  }
0x45: {  	_ =	shalt  }
0x46: {  	_ =	shalt  }
0x47: {  	_ =	shalt  }
0x48: {  	_ =	shalt  }
0x49: {  	_ =	shalt  }
0x4a: {  	_ =	shalt  }
0x4b: {  	_ =	shalt  }
0x4c: {  	_ =	shalt  }
0x4d: {  	_ =	shalt  }
0x4e: {  	_ =	shalt  }
0x4f: {  	_ =	shalt  }
0x50: {  	_ =	shalt  }
0x51: {  	_ =	shalt  }
0x52: {  	_ =	shalt  }
0x53: {  	_ =	shalt  }
0x54: {  	_ =	shalt  }
0x55: {  	_ =	shalt  }
0x56: {  	_ =	shalt  }
0x57: {  	_ =	shalt  }
0x58: {  	_ =	shalt  }
0x59: {  	_ =	shalt  }
0x5a: {  	_ =	shalt  }
0x5b: {  	_ =	shalt  }
0x5c: {  	_ =	shalt  }
0x5d: {  	_ =	shalt  }
0x5e: {  	_ =	shalt  }
0x5f: {  	_ =	shalt  }
0x60: {  	_ =	shalt  }
0x61: {  	_ =	shalt  }
0x62: {  	_ =	shalt  }
0x63: {  	_ =	shalt  }
0x64: {  	_ =	shalt  }
0x65: {  	_ =	shalt  }
0x66: {  	_ =	shalt  }
0x67: {  	_ =	shalt  }
0x68: {  	_ =	shalt  }
0x69: {  	_ =	shalt  }
0x6a: {  	_ =	shalt  }
0x6b: {  	_ =	shalt  }
0x6c: {  	_ =	shalt  }
0x6d: {  	_ =	shalt  }
0x6e: {  	_ =	shalt  }
0x6f: {  	_ =	shalt  }
0x70: {  	_ =	shalt  }
0x71: {  	_ =	shalt  }
0x72: {  	_ =	shalt  }
0x73: {  	_ =	shalt  }
0x74: {  	_ =	shalt  }
0x75: {  	_ =	shalt  }
0x76: {  	_ =	shalt  }
0x77: {  	_ =	shalt  }
0x78: {  	_ =	shalt  }
0x79: {  	_ =	shalt  }
0x7a: {  	_ =	shalt  }
0x7b: {  	_ =	shalt  }
0x7c: {  	_ =	shalt  }
0x7d: {  	_ =	shalt  }
0x7e: {  	_ =	shalt  }
0x7f: {  	_ =	shalt  }
0x80: {  	_ =	shalt  }
0x81: {  	_ =	shalt  }
0x82: {  	_ =	shalt  }
0x83: {  	_ =	shalt  }
0x84: {  	_ =	shalt  }
0x85: {  	_ =	shalt  }
0x86: {  	_ =	shalt  }
0x87: {  	_ =	shalt  }
.Lfunc_end0:
.L_simem_size_0:
called_computation_lowered:
.L_overlay_start_0:
0x88: {  	s2 =	sld [smem:$0x3FD9]  }
0x89: {  	s3 =	sld [smem:$0x3FFE];
	_ =	sdelay $0x1  }
0x8a: {  	s1 =	srdreg.scid  }
0x8b: {  	s0 =	sand.u32 $0x1, s1  }
0x8c: {  	s17 =	sshll.u32 s0, $0xA;
	s2 =	sadd.s32 s3, s2  }
0x8d: {  	s2 =	sadd.s32 s2, s17  }
0x8e: {  	[smem:$0x3FC7] =	sst s2  }
0x8f: {  	_ = 	snop  }
0x90: {  	s2 =	sld [smem:$0x3FD0];
	(tm) =	ssettm $0x1  }
0x91: {  	s18 =	sld [smem:$0x3FFB];
	_ =	sdelay $0x3  }
0x92: {  	_ =	strace s18  }
0x93: {  	s3 =	sld [smem:$0x3FFC];
	_ =	sdelay $0x3  }
0x94: {  	_ =	strace s3  }
0x95: {  	s3 =	sld [smem:$0x3FFD];
	_ =	sdelay $0x3  }
0x96: {  	_ =	strace s3  }
0x97: {  	_ =	strace $0x8FFFFFFF  }
0x98: {  	s19 =	sld [smem:$0x3FDB];
	_ =	sdelay $0x1  }
0x99: {  	s4 =	simm.s32 $_scs_section_size  }
0x9a: {  	s5 =	simm.s32 $_size__tile_overlayer_lowered;
	s6 =	simm.s32 $_tile_overlayer_lowered  }
0x9b: {  	s22 =	simm.s32 $0x1BFF;
	s21 =	sshll.u32 s6, $0x1;
	s3 =	sadd.s32 s4, s19  }
0x9c: {  	s7 =	simm.s32 $0x0;
	s20 =	sshll.u32 s5, $0x1;
	s5 =	sadd.s32 s21, s3  }
0x9d: {  	[timem:s7], [sflag:s22] =	dma.local [hbm:s5], s20  }
0x9e: {  	_ =	swait.ge [sflag:s22], s20  }
0x9f: {  	s4 =	ssub.s32 $0x0, s20;
	[sflag:s22] =	ssyncset.done $0x0  }
0xa0: {  	[sflag:s22] =	ssyncadd.s32 s4;
	_ =	sdelay $0x1  }
0xa1: {  	s23 =	simm.s32 $0x1B8B  }
0xa2: {  	_ =	swait.ge [sflag:s23], $0x1  }
0xa3: {  	[sflag:s23] =	ssyncset.done $0x0  }
0xa4: {  	s25 =	simm.s32 $0x1B8E;
	s24 =	sld [smem:$0x3FFE];
	[sflag:s23] =	ssyncadd.s32 $0xFFFFFFFF  }
0xa5: {  	s26 =	simm.s32 $execute0_lowered;
	[smem:$0x3FD2] =	sst s25  }
0xa6: {  	s5 =	sshll.u32 s26, $0x1;
	_ =	strace $0x80000046;
	[dreg:$0x1] =	wrdreg $0xFFFFFFFF  }
0xa7: {  	s28 =	simm.s32 $_size_execute0_lowered;
	s3 =	sadd.s32 s3, s5;
	[dreg:$0x0] =	wrdreg $0x0  }
0xa8: {  	s5 =	sshll.u32 s28, $0x1;
	[dreg:$0x2] =	wrdreg s3  }
0xa9: {  	[dreg:$0x3] =	wrdreg s5  }
0xaa: {  	[dreg:$0x4] =	wrdreg $0xC0  }
0xab: {  	_ =	task [dreg:s7], $0x5FFFF  }
0xac: {  	[dreg:$0x1] =	wrdreg $0xFFFFFFFF  }
0xad: {  	[dreg:$0x0] =	wrdreg $0x60  }
0xae: {  	[dreg:$0x2] =	wrdreg s24  }
0xaf: {  	[dreg:$0x3] =	wrdreg s2  }
0xb0: {  	[dreg:$0x4] =	wrdreg $0x9  }
0xb1: {  	_ =	task.clear_ibuf [dreg:s7], $0x5FFFF;
	_ =	strace $0x90000046  }
0xb2: {  	s29 =	simm.s32 $0x9;
	_ =	strace $0x80000048  }
0xb3: {  	_ =	swait.ge [sflag:s29], $0x1  }
0xb4: {  	[sflag:s29] =	ssyncadd.s32 $0xFFFFFFFF  }
0xb5: {  	_ =	strace $0x90000048  }
0xb6: {  	_ =	sfence  }
0xb7: {  	s30 =	sld [smem:$0x0];
	_ =	sdelay $0x2  }
0xb8: {  	s31 =	sshll.u32 s1, $0xD;
	s1 =	sshrl.u32 s1, $0x2  }
0xb9: {  	s3 =	sand.u32 $0x4000, s31;
	s1 =	sadd.s32 s1, s30  }
0xba: {  	s0 =	sor.u32 s3, s0;
	s1 =	sshll.u32 s1, $0x11  }
0xbb: {  	s0 =	sor.u32 s1, s0  }
0xbc: {  	s0 =	sadd.s32 $0x8F2B, s0  }
0xbd: {  	[sflag:s0] =	ssyncadd.remote.s32 $0x1  }
0xbe: {  	_ =	sfence.sel $0xFFFF  }
0xbf: {  	[dreg:$0x0] =	wrdreg $0xFFFFFFFF;
	(pc) =	sbr.abs _section_cstart, $3  }
0xc0: {  	[dreg:$0x1] =	wrdreg $0xFFFFFFFF  }
0xc1: {  	_ =	task.clear_ibuf [dreg:s7], $0x2FFFF;
	_ =	strace $0x9FFFFFFF  }
0xc2: {  	(tm) =	ssettm $0x7FFFFFFF  }
0xc3: {  	_ =	shalt  }
tec
execute0_lowered:
.L_overlay_start_1:
0x0: {  	(tag) =	ssettag $0x1  }
0x1: {  	s3 =	rddreg [dreg:$0x0]  }
0x2: {  	s5 =	rddreg [dreg:$0x1]  }
0x3: {  	s0 =	rddreg [dreg:$0x2]  }
0x4: {  	s4 =	srdreg.scid;
	s1 =	stileid.u32;
	s2 =	simm.s32 $0x0  }
0x5: {  	s10 =	simm.s32 $0x0;
	s4 =	sand.u32 $0x1, s4;
	s6 =	smul.u32 $0x8800, s1  }
0x6: {  	[smem:$0x7FF] =	sst s2;
	s7 =	smul.u32 $0x4400, s4;
	s8 =	ssub.s32 $0x2, s4  }
0x7: {  	v1 =	vlaneseq.u32;
	v3 =	vimm.s32 $0x0;
	s3 =	sadd.s32 $0x600, s3;
	_ =	strace $0x80000047;
	s9 =	sshrl.u32 s8, $0x1  }
0x8: {  	v0 =	vmov s1;
	v2 =	vadd.s32 $0xFFFFF801, v1;
	v4 =	vadd.s32 $0x7, v1;
	s4 =	smul.u32 $0x880, s4;
	s6 =	sadd.s32 s7, s6;
	s31 =	ssub.s32 s8, s9  }
0x9: {  	v5 =	vadd.s32 $0x6, v1;
	v6 =	vadd.s32 $0x5, v1;
	v7 =	vadd.s32 $0x4, v1;
	s7 =	simm.s32 $0x1;
	s8 =	simm.s32 $0x200;
	s6 =	sshrl.u32 s6, $0x3  }
0xa: {  	v8 =	vadd.s32 $0x3, v1;
	v9 =	vadd.s32 $0x2, v1;
	v10 =	vadd.s32 $0x1, v1;
	s9 =	simm.s32 $0x1380;
	s5 =	sadd.s32 s5, s6;
	s6 =	smax.u32 s31, $0x1  }
.LBB2_1:
0xb: {  	s13 =	sadd.s32 $0x0, s4  }
0xc: {  	v11 =	vadd.s32 s13, v2  }
0xd: {  	v12 =	vsub.s32 $0x0, v11  }
0xe: {  	v12 =	vmin.u32 v11, v12  }
0xf: {  	s12 =	sadd.s32 $0x10, s4;
	vm0 =	vlt.s32 v3, v11;
	vm1 =	vgt.s32 v12, $0x7  }
0x10: {  	v13 =	vadd.s32 s12, v2;
	v11 =	vsel vm0, $0x10, v3;
	v14 =	vsel vm1, $0x7, v12  }
0x11: {  	vm0 =	vgt.s32 v12, $0xC;
	v11 =	vadd.s32 v14, v11;
	v14 =	vsel vm1, $0x1, v3  }
0x12: {  	v11 =	vadd.s32 v14, v11;
	v14 =	vsel vm0, $0x1, v3;
	vm0 =	vgt.s32 v12, $0x13  }
0x13: {  	v11 =	vadd.s32 v14, v11;
	v14 =	vsel vm0, $0x1, v3;
	vm0 =	vgt.s32 v12, $0x1D  }
0x14: {  	v11 =	vadd.s32 v14, v11;
	v14 =	vsel vm0, $0x1, v3;
	vm0 =	vgt.s32 v12, $0x2D  }
0x15: {  	v11 =	vadd.s32 v14, v11;
	v14 =	vsel vm0, $0x1, v3;
	vm0 =	vgt.s32 v12, $0x45  }
0x16: {  	v11 =	vadd.s32 v14, v11;
	v14 =	vsel vm0, $0x1, v3;
	vm0 =	vgt.s32 v12, $0x6B  }
0x17: {  	v11 =	vadd.s32 v14, v11;
	v14 =	vsel vm0, $0x1, v3;
	vm0 =	vgt.s32 v12, $0xA5  }
0x18: {  	s14 =	sadd.s32 $0x20, s4;
	v12 =	vsub.s32 $0x0, v13;
	v14 =	vadd.s32 v14, v11;
	v15 =	vsel vm0, $0x1, v3  }
0x19: {  	v11 =	vadd.s32 s14, v2;
	v12 =	vmin.u32 v13, v12;
	v14 =	vadd.s32 v15, v14  }
0x1a: {  	vm0 =	vlt.s32 v3, v13;
	vm1 =	vgt.s32 v12, $0x7;
	v13 =	vshll.u32 v14, $0x4  }
0x1b: {  	v14 =	vsel vm0, $0x10, v3;
	v15 =	vsel vm1, $0x7, v12;
	vm0 =	vgt.s32 v12, $0xC  }
0x1c: {  	v13 =	vor.u32 v0, v13;
	v14 =	vadd.s32 v15, v14;
	v15 =	vsel vm1, $0x1, v3  }
0x1d: {  	[tilespmem:s2], [sflag:$0x1] =	stream.linear.gather [hbm4b:s3+s2], $0x200, $0x38;
	v14 =	vadd.s32 v15, v14;
	v15 =	vsel vm0, $0x1, v3;
	vm0 =	vgt.s32 v12, $0x13;
	[tilespmem:$0x5780] =	vst v63  }
0x1e: {  	_ =	swait.ge [sflag:s7], $0x200;
	v14 =	vadd.s32 v15, v14;
	v15 =	vsel vm0, $0x1, v3;
	vm0 =	vgt.s32 v12, $0x1D  }
0x1f: {  	[sflag:s7] =	ssyncset.done $0x0;
	v14 =	vadd.s32 v15, v14;
	v15 =	vsel vm0, $0x1, v3;
	vm0 =	vgt.s32 v12, $0x2D  }
0x20: {  	s16 =	simm.s32 $0x10;
	[sflag:s7] =	ssyncadd.s32 $0xFFFFFE00;
	v14 =	vadd.s32 v15, v14;
	v15 =	vsel vm0, $0x1, v3;
	vm0 =	vgt.s32 v12, $0x45  }
0x21: {  	s15 =	simm.s32 $0x20;
	s18 =	simm.s32 $0x30;
	s17 =	simm.s32 $0x0;
	v13 =	vld.idx.msk [tilespmem:v13+s2+$0x0], $0xffff;
	v14 =	vadd.s32 v15, v14;
	v15 =	vsel vm0, $0x1, v3;
	vm0 =	vgt.s32 v12, $0x6B  }
.LBB2_2:
0x22: {  	p0 =	sne.s32 s18, $0x880;
	v14 =	vadd.s32 v15, v14;
	v15 =	vsel vm0, $0x1, v3;
	vm0 =	vgt.s32 v12, $0xA5  }
0x23: {  	s11 =	sadd.s32 s18, s4;
	v12 =	vsub.s32 $0x0, v11;
	v14 =	vadd.s32 v15, v14;
	v15 =	vsel vm0, $0x1, v3  }
0x24: {  	s19 =	sand.u32 $0x1F80, s13;
	s17 =	sand.u32 $0x70, s17;
	s13 =	smov.u32 s12;
	v16 =	vadd.s32 s11, v2;
	v12 =	vmin.u32 v11, v12;
	v14 =	vadd.s32 v15, v14  }
0x25: {  	s12 =	smov.u32 s14;
	vm0 =	vlt.s32 v3, v11;
	s17 =	sor.u32 s17, s19;
	s14 =	smov.u32 s11;
	vm1 =	vgt.s32 v12, $0x7;
	v11 =	vmovc v16;
	v14 =	vshll.u32 v14, $0x4  }
0x26: {  	v15 =	vsel vm0, $0x10, v3;
	v16 =	vsel vm1, $0x7, v12;
	v14 =	vor.u32 v0, v14;
	[tilespmem:s17+$0x200] =	vst v13;
	s17 =	smov.u32 s16;
	s16 =	smov.u32 s15;
	s15 =	smov.u32 s18  }
0x27: {  	vm0 =	vgt.s32 v12, $0xC;
	v13 =	vadd.s32 v16, v15;
	v15 =	vsel vm1, $0x1, v3  }
.Ltmp0:
0x28: {  	v13 =	vadd.s32 v15, v13;
	v15 =	vsel vm0, $0x1, v3;
	vm0 =	vgt.s32 v12, $0x13;
	(pc) =	sbr.rel @p0 .LBB2_2-.Ltmp0, $4  }
0x29: {  	v13 =	vadd.s32 v15, v13;
	v15 =	vsel vm0, $0x1, v3;
	vm0 =	vgt.s32 v12, $0x1D  }
0x2a: {  	s11 =	simm.s32 $0x0;
	v13 =	vadd.s32 v15, v13;
	v15 =	vsel vm0, $0x1, v3;
	vm0 =	vgt.s32 v12, $0x2D  }
0x2b: {  	v15 =	vadd.s32 v15, v13;
	v16 =	vsel vm0, $0x1, v3;
	vm0 =	vgt.s32 v12, $0x45;
	v13 =	vld.idx.msk [tilespmem:v14+s11+$0x0], $0xffff  }
0x2c: {  	s18 =	sadd.s32 $0x10, s18;
	v14 =	vadd.s32 v16, v15;
	v15 =	vsel vm0, $0x1, v3;
	vm0 =	vgt.s32 v12, $0x6B  }
0x2d: {  	v14 =	vadd.s32 v15, v14;
	v50 =	vsel vm0, $0x1, v3  }
0x2e: {  	vm7 =	vgt.s32 v12, $0xA5;
	v51 =	vsub.s32 $0x0, v11;
	vm8 =	vlt.s32 v3, v11  }
0x2f: {  	v14 =	vadd.s32 v50, v14;
	v52 =	vsel vm7, $0x1, v3;
	v12 =	vmin.u32 v11, v51  }
0x30: {  	v53 =	vsel vm8, $0x10, v3;
	v14 =	vadd.s32 v52, v14;
	vm1 =	vgt.s32 v12, $0x7  }
0x31: {  	vm9 =	vgt.s32 v12, $0xC;
	vm10 =	vgt.s32 v12, $0x13;
	v54 =	vsel vm1, $0x7, v12  }
0x32: {  	v11 =	vshll.u32 v14, $0x4;
	v55 =	vsel vm1, $0x1, v3;
	v14 =	vadd.s32 v54, v53  }
0x33: {  	vm11 =	vgt.s32 v12, $0x1D;
	v56 =	vsel vm9, $0x1, v3;
	v14 =	vadd.s32 v55, v14  }
0x34: {  	vm12 =	vgt.s32 v12, $0x2D;
	v57 =	vsel vm10, $0x1, v3;
	v14 =	vadd.s32 v56, v14  }
0x35: {  	vm13 =	vgt.s32 v12, $0x45;
	v58 =	vsel vm11, $0x1, v3;
	v14 =	vadd.s32 v57, v14  }
0x36: {  	v59 =	vsel vm12, $0x1, v3;
	v11 =	vor.u32 v0, v11;
	v14 =	vadd.s32 v58, v14  }
0x37: {  	vm14 =	vgt.s32 v12, $0x6B;
	v60 =	vsel vm13, $0x1, v3;
	v14 =	vadd.s32 v59, v14  }
0x38: {  	s13 =	sand.u32 $0x1F80, s13;
	s17 =	sand.u32 $0x70, s17;
	vm15 =	vgt.s32 v12, $0xA5;
	v61 =	vsel vm14, $0x1, v3;
	v14 =	vadd.s32 v60, v14  }
0x39: {  	s13 =	sor.u32 s17, s13;
	v63 =	vsel vm15, $0x1, v3;
	v62 =	vadd.s32 v61, v14  }
0x3a: {  	[tilespmem:s13+$0x200] =	vst v13;
	v12 =	vadd.s32 v63, v62  }
0x3b: {  	v11 =	vld.idx.msk [tilespmem:v11+s11+$0x0], $0xffff;
	v12 =	vshll.u32 v12, $0x4  }
0x3c: {  	v12 =	vor.u32 v0, v12;
	_ =	sdelay $0x1  }
0x3d: {  	s12 =	sand.u32 $0x1F80, s12;
	s29 =	sand.u32 $0x70, s16  }
0x3e: {  	s12 =	sor.u32 s29, s12  }
0x3f: {  	[tilespmem:s12+$0x200] =	vst v11  }
0x40: {  	p1 =	por $0x1, $0x1;
	v11 =	vld.idx.msk [tilespmem:v12+s11+$0x0], $0xffff  }
.Ltmp1:
0x41: {  	_ = 	snop;
	(pc) =	sbr.rel @!p1 .LBB2_4-.Ltmp1, $4  }
0x42: {  	_ = 	snop  }
0x43: {  	s30 =	sand.u32 $0x1F80, s14;
	s31 =	sand.u32 $0x70, s15  }
0x44: {  	s12 =	sor.u32 s31, s30  }
0x45: {  	p0 =	por $0x0, $0x0;
	s13 =	simm.s32 $0x10;
	[tilespmem:s12+$0x200] =	vst v11;
	s12 =	sadd.s32 $0x0, s4  }
0x46: {  	v11 =	vadd.s32 s12, v4;
	_ =	sdelay $0x4  }
0x47: {  	v11 =	vld.idx.msk [tilespmem:v11+s8+$0x0], $0xffff  }
0x48: {  	v12 =	vadd.s32 s12, v5;
	_ =	sdelay $0x1  }
0x49: {  	s14 =	sand.u32 $0x70, s11;
	s15 =	sand.u32 $0x7C00, s11  }
0x4a: {  	s14 =	sor.u32 s14, s15  }
0x4b: {  	[tilespmem:s14+$0x1380] =	vst v11  }
0x4c: {  	v11 =	vld.idx.msk [tilespmem:v12+s8+$0x0], $0xffff  }
0x4d: {  	v58 =	vadd.s32 s12, v6;
	_ =	sdelay $0x3  }
0x4e: {  	[tilespmem:s14+$0x1400] =	vst v11  }
0x4f: {  	v11 =	vld.idx.msk [tilespmem:v58+s8+$0x0], $0xffff  }
0x50: {  	v59 =	vadd.s32 s12, v7;
	_ =	sdelay $0x3  }
0x51: {  	[tilespmem:s14+$0x1480] =	vst v11  }
0x52: {  	v11 =	vld.idx.msk [tilespmem:v59+s8+$0x0], $0xffff  }
0x53: {  	v60 =	vadd.s32 s12, v8;
	_ =	sdelay $0x3  }
0x54: {  	[tilespmem:s14+$0x1500] =	vst v11  }
0x55: {  	v11 =	vld.idx.msk [tilespmem:v60+s8+$0x0], $0xffff  }
0x56: {  	v61 =	vadd.s32 s12, v9;
	_ =	sdelay $0x3  }
0x57: {  	[tilespmem:s14+$0x1580] =	vst v11  }
0x58: {  	v11 =	vld.idx.msk [tilespmem:v61+s8+$0x0], $0xffff  }
0x59: {  	v62 =	vadd.s32 s12, v10;
	_ =	sdelay $0x3  }
0x5a: {  	[tilespmem:s14+$0x1600] =	vst v11  }
0x5b: {  	v11 =	vld.idx.msk [tilespmem:v62+s8+$0x0], $0xffff  }
0x5c: {  	v63 =	vor.u32 s12, v1;
	p1 =	por $0x1, $0x1  }
.Ltmp2:
0x5d: {  	_ = 	snop;
	(pc) =	sbr.rel @!p1 .LBB2_6-.Ltmp2, $3  }
0x5e: {  	_ =	sdelay $0x1  }
0x5f: {  	s12 =	sadd.s32 $0x10, s4;
	s16 =	simm.s32 $0x20;
	[tilespmem:s14+$0x1680] =	vst v11  }
0x60: {  	p0 =	por $0x1, $0x1;
	s15 =	simm.s32 $0x0;
	s14 =	simm.s32 $0x0;
	v11 =	vld.idx.msk [tilespmem:v63+s8+$0x0], $0xffff  }
.LBB2_7:
0x61: {  	p1 =	sne.s32 s16, $0x870;
	v12 =	vadd.s32 s12, v4;
	s17 =	sand.u32 $0x7, s14  }
0x62: {  	s17 =	sshll.u32 s17, $0x4  }
0x63: {  	s17 =	sadd.s32 s17, s15  }
0x64: {  	s17 =	sor.u32 $0x380, s17  }
0x65: {  	[tilespmem:s17+$0x1380] =	vst v11  }
0x66: {  	v11 =	vld.idx.msk [tilespmem:v12+s8+$0x0], $0xffff;
	_ =	sdelay $0x1  }
0x67: {  	v12 =	vadd.s32 s12, v5  }
0x68: {  	s15 =	sadd.s32 $0x80, s15  }
0x69: {  	s18 =	sand.u32 $0x7C00, s15;
	s17 =	sand.u32 $0x70, s13;
	s13 =	smov.u32 s16  }
0x6a: {  	s17 =	sor.u32 s17, s18  }
0x6b: {  	[tilespmem:s17+$0x1380] =	vst v11  }
0x6c: {  	v11 =	vld.idx.msk [tilespmem:v12+s8+$0x0], $0xffff;
	_ =	sdelay $0x1  }
0x6d: {  	v12 =	vadd.s32 s12, v6;
	_ =	sdelay $0x3  }
0x6e: {  	[tilespmem:s17+$0x1400] =	vst v11  }
0x6f: {  	v11 =	vld.idx.msk [tilespmem:v12+s8+$0x0], $0xffff;
	_ =	sdelay $0x1  }
0x70: {  	v12 =	vadd.s32 s12, v7;
	_ =	sdelay $0x3  }
0x71: {  	[tilespmem:s17+$0x1480] =	vst v11  }
0x72: {  	v11 =	vld.idx.msk [tilespmem:v12+s8+$0x0], $0xffff;
	_ =	sdelay $0x1  }
0x73: {  	v12 =	vadd.s32 s12, v8;
	_ =	sdelay $0x3  }
0x74: {  	[tilespmem:s17+$0x1500] =	vst v11  }
0x75: {  	v11 =	vld.idx.msk [tilespmem:v12+s8+$0x0], $0xffff;
	_ =	sdelay $0x1  }
0x76: {  	v12 =	vadd.s32 s12, v9;
	_ =	sdelay $0x3  }
0x77: {  	[tilespmem:s17+$0x1580] =	vst v11  }
0x78: {  	v11 =	vld.idx.msk [tilespmem:v12+s8+$0x0], $0xffff;
	_ =	sdelay $0x1  }
0x79: {  	v12 =	vadd.s32 s12, v10;
	_ =	sdelay $0x3  }
0x7a: {  	[tilespmem:s17+$0x1600] =	vst v11  }
0x7b: {  	v11 =	vld.idx.msk [tilespmem:v12+s8+$0x0], $0xffff;
	_ =	sdelay $0x1  }
0x7c: {  	v12 =	vor.u32 s12, v1;
	_ =	sdelay $0x1  }
.Ltmp3:
0x7d: {  	(pc) =	sbr.rel @p1 .LBB2_7-.Ltmp3, $4  }
0x7e: {  	_ = 	snop  }
0x7f: {  	[tilespmem:s17+$0x1680] =	vst v11  }
0x80: {  	v11 =	vld.idx.msk [tilespmem:v12+s8+$0x0], $0xffff  }
0x81: {  	s14 =	sadd.s32 $0x1, s14;
	s16 =	sadd.s32 $0x10, s16;
	s12 =	sadd.s32 s13, s4  }
.LBB2_8:
0x82: {  	v12 =	vadd.s32 s12, v4;
	s16 =	sand.u32 @p0 $0x7, s14  }
0x83: {  	s16 =	sshll.u32 @p0 s16, $0x4  }
0x84: {  	s16 =	sadd.s32 @p0 s16, s15  }
0x85: {  	s16 =	sor.u32 @p0 $0x380, s16  }
0x86: {  	[tilespmem:s16+$0x1380] =	vst @p0 v11  }
0x87: {  	v11 =	vld.idx.msk [tilespmem:v12+s8+$0x0], $0xffff  }
0x88: {  	v57 =	vadd.s32 s12, v5;
	s15 =	sadd.s32 @p0 $0x80, s15;
	s16 =	simm.s32 $0x0  }
0x89: {  	s16 =	smov.u32 @p0 s15  }
0x8a: {  	s13 =	sand.u32 $0x70, s13;
	s15 =	sand.u32 $0x7C00, s16  }
0x8b: {  	s13 =	sor.u32 s13, s15  }
0x8c: {  	[tilespmem:s13+$0x1380] =	vst v11  }
0x8d: {  	v11 =	vld.idx.msk [tilespmem:v57+s8+$0x0], $0xffff  }
0x8e: {  	v58 =	vadd.s32 s12, v6;
	_ =	sdelay $0x3  }
0x8f: {  	[tilespmem:s13+$0x1400] =	vst v11  }
0x90: {  	v11 =	vld.idx.msk [tilespmem:v58+s8+$0x0], $0xffff  }
0x91: {  	v59 =	vadd.s32 s12, v7;
	_ =	sdelay $0x3  }
0x92: {  	[tilespmem:s13+$0x1480] =	vst v11  }
0x93: {  	v11 =	vld.idx.msk [tilespmem:v59+s8+$0x0], $0xffff  }
0x94: {  	v60 =	vadd.s32 s12, v8;
	_ =	sdelay $0x3  }
0x95: {  	[tilespmem:s13+$0x1500] =	vst v11  }
0x96: {  	v11 =	vld.idx.msk [tilespmem:v60+s8+$0x0], $0xffff  }
0x97: {  	v61 =	vadd.s32 s12, v9;
	_ =	sdelay $0x3  }
0x98: {  	[tilespmem:s13+$0x1580] =	vst v11  }
0x99: {  	v11 =	vld.idx.msk [tilespmem:v61+s8+$0x0], $0xffff  }
0x9a: {  	v62 =	vadd.s32 s12, v10;
	_ =	sdelay $0x3  }
0x9b: {  	[tilespmem:s13+$0x1600] =	vst v11  }
0x9c: {  	v11 =	vld.idx.msk [tilespmem:v62+s8+$0x0], $0xffff  }
0x9d: {  	v63 =	vor.u32 s12, v1;
	_ =	sdelay $0x3  }
0x9e: {  	s12 =	sadd.s32 @p0 $0x1, s14;
	[tilespmem:s13+$0x1680] =	vst v11  }
0x9f: {  	s11 =	smov.u32 @p0 s12;
	v11 =	vld.idx.msk [tilespmem:v63+s8+$0x0], $0xffff  }
0xa0: {  	s11 =	sand.u32 $0x7, s11  }
0xa1: {  	s11 =	sshll.u32 s11, $0x4  }
0xa2: {  	s11 =	sadd.s32 s11, s16  }
0xa3: {  	s10 =	sadd.s32 $0x1, s10;
	s11 =	sor.u32 $0x380, s11  }
0xa4: {  	p0 =	sne.s32 s10, s6;
	[tilespmem:s11+$0x1380] =	vst v11  }
0xa5: {  	[hbm4b:s5+s2] =	stream.linear.scatter [tilespmem:s9], [sflag:$0x1], $0x4400, $0x38;
	[tilespmem:$0x5780] =	vst v63  }
.Ltmp4:
0xa6: {  	_ = 	snop;
	(pc) =	sbr.rel @p0 .LBB2_1-.Ltmp4, $4  }
.Ltmp5:
0xa7: {  	_ = 	snop;
	(pc) =	sbr.rel @!p0 .LBB2_9-.Ltmp5, $4  }
0xa8: {  	_ =	swait.ge [sflag:s7], $0x4400  }
0xa9: {  	[sflag:s7] =	ssyncset.done $0x0  }
0xaa: {  	[sflag:s7] =	ssyncadd.s32 $0xFFFFBC00  }
0xab: {  	_ = 	snop  }
.LBB2_4:
.Ltmp6:
0xac: {  	(pc) =	sbr.rel .LBB2_8-.Ltmp6, $2  }
0xad: {  	_ =	sdelay $0x2  }
0xae: {  	s14 =	simm.s32 $0x0;
	s15 =	simm.s32 $0x0;
	s13 =	simm.s32 $0x0  }
.LBB2_6:
.Ltmp7:
0xaf: {  	(pc) =	sbr.rel .LBB2_8-.Ltmp7, $2  }
0xb0: {  	_ =	sdelay $0x2  }
0xb1: {  	s14 =	simm.s32 $0x0;
	s15 =	simm.s32 $0x0  }
.LBB2_9:
0xb2: {  	_ =	sfence.sel $0x180000  }
0xb3: {  	[bflag:$0x0] =	sbarrier.arrive $0xFFFF  }
0xb4: {  	p0 =	sne.s32 s1, $0x0;
	_ =	strace $0x90000047  }
0xb5: {  	s0 =	sadd.s32 @!p0 $0x100000, s0;
	[bflag:$0x2] =	sbarrier.arrive $0xFFFF  }
0xb6: {  	[sflag:s0] =	ssyncadd.tile.s32 @!p0 $0x1;
	_ =	shalt  }
.Lfunc_end2:
_tile_overlayer_lowered:
.L_overlay_start_2:
0xb7: {  	(tag) =	ssettag $0x2  }
0xb8: {  	s0 =	rddreg [dreg:$0x0];
	s2 =	stileid.u32  }
0xb9: {  	s1 =	rddreg [dreg:$0x1];
	p0 =	sne.s32 s2, $0x0  }
0xba: {  	s3 =	rddreg [dreg:$0x2];
	[bflag:$0x3] =	sbarrier.arrive $0xFFFF;
	s2 =	simm.s32 @!p0 $0x1C01  }
0xbb: {  	[timem:s3], [sflag:s2] =	dma.local @!p0 [hbm:s0], s1  }
0xbc: {  	s0 =	simm.s32 @!p0 $0x1  }
0xbd: {  	_ =	swait.ge @!p0 [sflag:s0], s1  }
0xbe: {  	s1 =	ssub.s32 @!p0 $0x0, s1;
	[sflag:s0] =	ssyncset.done @!p0 $0x0  }
0xbf: {  	[sflag:s0] =	ssyncadd.s32 @!p0 s1  }
0xc0: {  	[bflag:$0x3] =	sbarrier.arrive $0xFFFF  }
0xc1: {  	_ =	shalt  }

</sc_bundles>
